<compile_context>
chip_gen: v7x
topology: tpu7x:2x2x1
jax: 0.10.2.dev20260603
libtpu: 0.0.44.dev20260713+nightly
codegen_flags: <defaults>
</compile_context>

<pallas_src>
import functools

import jax
import jax.numpy as jnp
from jax import lax
from jax.experimental import pallas as pl
from jax.experimental.pallas import tpu as pltpu
from jax.experimental.pallas import tpu_sc as plsc

VOCAB = 256000
EMBED_DIM = 768
BATCH = 4096
SEQ = 64

NUM_ROWS = BATCH * SEQ
NUM_CORES = 2
NUM_SUBCORES = 16
NUM_WORKERS = NUM_CORES * NUM_SUBCORES
ROWS_PER_WORKER = NUM_ROWS // NUM_WORKERS
CHUNK = 32
NUM_CHUNKS = ROWS_PER_WORKER // CHUNK
NBUF = 4


def _make_kernel():
    mesh = plsc.VectorSubcoreMesh(
        core_axis_name="c", subcore_axis_name="s",
        num_cores=NUM_CORES, num_subcores=NUM_SUBCORES)

    @functools.partial(
        pl.kernel,
        mesh=mesh,
        out_type=jax.ShapeDtypeStruct((NUM_ROWS, EMBED_DIM), jnp.float32),
        scratch_types=[
            pltpu.VMEM((NUM_CHUNKS, CHUNK), jnp.int32),
            pltpu.VMEM((NBUF, CHUNK, EMBED_DIM), jnp.float32),
            pltpu.SemaphoreType.DMA,
            pltpu.SemaphoreType.DMA,
        ],
    )
    def gather_kernel(idx_hbm, table_hbm, out_hbm, idx_v, rows_v, sem_in,
                      sem_out):
        wid = lax.axis_index("s") * NUM_CORES + lax.axis_index("c")
        base = wid * ROWS_PER_WORKER
        pltpu.sync_copy(idx_hbm.at[wid], idx_v)

        for b in range(NBUF):
            pltpu.async_copy(table_hbm.at[idx_v.at[b]], rows_v.at[b], sem_in)

        def body(g, carry):
            for b in range(NBUF):
                i = g * NBUF + b
                prev_b = (b - 1) % NBUF
                @pl.when(jnp.logical_and(i >= 1, i + NBUF - 1 < NUM_CHUNKS))
                def _():
                    pltpu.make_async_copy(
                        rows_v.at[prev_b],
                        out_hbm.at[pl.ds(base + (i - 1) * CHUNK, CHUNK)],
                        sem_out).wait()
                    pltpu.async_copy(
                        table_hbm.at[idx_v.at[i + NBUF - 1]],
                        rows_v.at[prev_b], sem_in)
                pltpu.make_async_copy(
                    table_hbm.at[idx_v.at[i]], rows_v.at[b], sem_in).wait()
                pltpu.async_copy(
                    rows_v.at[b],
                    out_hbm.at[pl.ds(base + i * CHUNK, CHUNK)], sem_out)
            return carry

        lax.fori_loop(0, NUM_CHUNKS // NBUF, body, 0)

        for b in range(NBUF):
            i = NUM_CHUNKS - NBUF + b
            pltpu.make_async_copy(
                rows_v.at[b],
                out_hbm.at[pl.ds(base + i * CHUNK, CHUNK)], sem_out).wait()

    return gather_kernel


_gather = _make_kernel()


def kernel(text, table):
    idx = text.reshape(NUM_WORKERS, NUM_CHUNKS, CHUNK).astype(jnp.int32)
    out = _gather(idx, table)
    return out.reshape(BATCH, SEQ, EMBED_DIM)

# --- scband reference (transcript-rebuilt; emitter-appended) ---
"""Pipeline reference for scband-text-embedding-68891275428267 (READ-ONLY COPY).

The authoritative reference and input builder live on the scoring server;
editing this copy changes nothing except your own understanding.
"""

import jax, jax.numpy as jnp
import numpy as np

VOCAB = 256000
EMBED_DIM = 768
BATCH = 4096
SEQ = 64

def setup_inputs(seed: int = 0) -> dict:
    key = jax.random.key(seed)
    k_idx, k_tab = jax.random.split(key)
    text = jax.random.randint(k_idx, (BATCH, SEQ), 0, VOCAB, dtype=jnp.int64 if jax.config.jax_enable_x64 else jnp.int32)
    table = jax.random.normal(k_tab, (VOCAB, EMBED_DIM), dtype=jnp.float32) * 0.02
    return {"text": text, "table": table}

def reference(text, table):
    # nn.Embedding lookup: gather rows of the embedding table
    return jnp.take(table, text, axis=0)

if __name__ == "__main__":
    import jax
    _d = setup_inputs()
    print(jax.jit(kernel)(*tuple(_d.values())))

</pallas_src>

<mosaic_0001>
#map = affine_map<(d0, d1) -> (0, 0, 0)>
#map1 = affine_map<(d0, d1) -> (0, 0)>
module attributes {stable_mosaic.version = 14 : i64} {
  func.func @gather_kernel(%arg0: i32, %arg1: i32, %arg2: memref<32x256x32xi32, #tpu.memory_space<hbm>>, %arg3: memref<256000x768xf32, #tpu.memory_space<hbm>>, %arg4: memref<262144x768xf32, #tpu.memory_space<hbm>>, %arg5: memref<256x32xi32, #tpu.memory_space<vmem>>, %arg6: memref<4x32x768xf32, #tpu.memory_space<vmem>>, %arg7: memref<!tpu.dma_semaphore, #tpu.memory_space<semaphore_mem>>, %arg8: memref<!tpu.dma_semaphore, #tpu.memory_space<semaphore_mem>>) attributes {dimension_semantics = [#tpu.dimension_semantics<core_parallel>, #tpu.dimension_semantics<subcore_parallel>], iteration_bounds = array<i64: 2, 16>, scalar_prefetch = 0 : i64, scratch_operands = 4 : i64, tpu.core_type = #tpu.core_type<sc_vector_subcore>, window_params = [{transform_indices = #map}, {transform_indices = #map1}, {transform_indices = #map1}]} {
    %mul3A = arith.constant 2 : i32
    %mul3A_0 = arith.muli %arg1, %mul3A : i32
    %add3A = arith.addi %mul3A_0, %arg0 : i32
    %mul3A_1 = arith.constant 8192 : i32
    %mul3A_2 = arith.muli %add3A, %mul3A_1 : i32
    "tpu.region"() ({
      %run_scoped3A = tpu.sem_alloc : memref<!tpu.dma_semaphore, #tpu.memory_space<semaphore_mem>>
      %dma_start3A_114 = arith.constant 0 : i32
      %dma_start3A_115 = arith.constant 0 : i32
      %dma_start3A_116 = tpu.memref_slice %arg2[%add3A, %dma_start3A_114, %dma_start3A_115] : memref<32x256x32xi32, #tpu.memory_space<hbm>> -> memref<1x256x32xi32, #tpu.memory_space<hbm>>
      %dma_start3A_117 = tpu.memref_squeeze %dma_start3A_116 : memref<1x256x32xi32, #tpu.memory_space<hbm>> -> memref<256x32xi32, #tpu.memory_space<hbm>>
      %dma_start3A_118 = arith.constant 0 : i32
      %dma_start3A_119 = arith.constant 0 : i32
      %dma_start3A_120 = tpu.memref_slice %arg2[%add3A, %dma_start3A_118, %dma_start3A_119] : memref<32x256x32xi32, #tpu.memory_space<hbm>> -> memref<1x256x32xi32, #tpu.memory_space<hbm>>
      %dma_start3A_121 = tpu.memref_squeeze %dma_start3A_120 : memref<1x256x32xi32, #tpu.memory_space<hbm>> -> memref<256x32xi32, #tpu.memory_space<hbm>>
      tpu.enqueue_dma source(%dma_start3A_121 : memref<256x32xi32, #tpu.memory_space<hbm>>) target(%arg5 : memref<256x32xi32, #tpu.memory_space<vmem>>) target_semaphore(%run_scoped3A : memref<!tpu.dma_semaphore, #tpu.memory_space<semaphore_mem>>)
      %dma_wait3A_122 = arith.constant 0 : i32
      %dma_wait3A_123 = arith.constant 0 : i32
      %dma_wait3A_124 = tpu.memref_slice %arg2[%add3A, %dma_wait3A_122, %dma_wait3A_123] : memref<32x256x32xi32, #tpu.memory_space<hbm>> -> memref<1x256x32xi32, #tpu.memory_space<hbm>>
      %dma_wait3A_125 = tpu.memref_squeeze %dma_wait3A_124 : memref<1x256x32xi32, #tpu.memory_space<hbm>> -> memref<256x32xi32, #tpu.memory_space<hbm>>
      %dma_wait3A_126 = arith.constant 0 : i32
      %dma_wait3A_127 = arith.constant 0 : i32
      %dma_wait3A_128 = tpu.memref_slice %arg2[%add3A, %dma_wait3A_126, %dma_wait3A_127] : memref<32x256x32xi32, #tpu.memory_space<hbm>> -> memref<1x256x32xi32, #tpu.memory_space<hbm>>
      %dma_wait3A_129 = tpu.memref_squeeze %dma_wait3A_128 : memref<1x256x32xi32, #tpu.memory_space<hbm>> -> memref<256x32xi32, #tpu.memory_space<hbm>>
      tpu.wait_dma2 semaphore(%run_scoped3A : memref<!tpu.dma_semaphore, #tpu.memory_space<semaphore_mem>>) src(%dma_wait3A_129 : memref<256x32xi32, #tpu.memory_space<hbm>>) dst(%arg5 : memref<256x32xi32, #tpu.memory_space<vmem>>)
      tpu.yield
    }) : () -> ()
    %dma_start3A = arith.constant 0 : i32
    %dma_start3A_3 = arith.constant 0 : i32
    %dma_start3A_4 = arith.constant 0 : i32
    %dma_start3A_5 = arith.constant 0 : i32
    %dma_start3A_6 = tpu.memref_slice %arg6[%dma_start3A_3, %dma_start3A_4, %dma_start3A_5] : memref<4x32x768xf32, #tpu.memory_space<vmem>> -> memref<1x32x768xf32, #tpu.memory_space<vmem>>
    %dma_start3A_7 = tpu.memref_squeeze %dma_start3A_6 : memref<1x32x768xf32, #tpu.memory_space<vmem>> -> memref<32x768xf32, #tpu.memory_space<vmem>>
    %dma_start3A_8 = arith.constant 0 : i32
    %dma_start3A_9 = tpu.memref_slice %arg5[%dma_start3A, %dma_start3A_8] : memref<256x32xi32, #tpu.memory_space<vmem>> -> memref<1x32xi32, #tpu.memory_space<vmem>>
    %dma_start3A_10 = tpu.memref_squeeze %dma_start3A_9 : memref<1x32xi32, #tpu.memory_space<vmem>> -> memref<32xi32, #tpu.memory_space<vmem>>
    %dma_start3A_11 = arith.constant 0 : i32
    %dma_start3A_12 = arith.constant 0 : i32
    %dma_start3A_13 = tpu.memref_slice %arg3[%dma_start3A_11, %dma_start3A_12] : memref<256000x768xf32, #tpu.memory_space<hbm>> -> memref<256000x768xf32, #tpu.memory_space<hbm>>
    tpu.enqueue_indirect_dma source(%dma_start3A_13 : memref<256000x768xf32, #tpu.memory_space<hbm>>) target(%dma_start3A_7 : memref<32x768xf32, #tpu.memory_space<vmem>>) offsets(%dma_start3A_10 : memref<32xi32, #tpu.memory_space<vmem>>) semaphore(%arg7 : memref<!tpu.dma_semaphore, #tpu.memory_space<semaphore_mem>>)
    %dma_start3A_14 = arith.constant 1 : i32
    %dma_start3A_15 = arith.constant 1 : i32
    %dma_start3A_16 = arith.constant 0 : i32
    %dma_start3A_17 = arith.constant 0 : i32
    %dma_start3A_18 = tpu.memref_slice %arg6[%dma_start3A_15, %dma_start3A_16, %dma_start3A_17] : memref<4x32x768xf32, #tpu.memory_space<vmem>> -> memref<1x32x768xf32, #tpu.memory_space<vmem>>
    %dma_start3A_19 = tpu.memref_squeeze %dma_start3A_18 : memref<1x32x768xf32, #tpu.memory_space<vmem>> -> memref<32x768xf32, #tpu.memory_space<vmem>>
    %dma_start3A_20 = arith.constant 0 : i32
    %dma_start3A_21 = tpu.memref_slice %arg5[%dma_start3A_14, %dma_start3A_20] : memref<256x32xi32, #tpu.memory_space<vmem>> -> memref<1x32xi32, #tpu.memory_space<vmem>>
    %dma_start3A_22 = tpu.memref_squeeze %dma_start3A_21 : memref<1x32xi32, #tpu.memory_space<vmem>> -> memref<32xi32, #tpu.memory_space<vmem>>
    %dma_start3A_23 = arith.constant 0 : i32
    %dma_start3A_24 = arith.constant 0 : i32
    %dma_start3A_25 = tpu.memref_slice %arg3[%dma_start3A_23, %dma_start3A_24] : memref<256000x768xf32, #tpu.memory_space<hbm>> -> memref<256000x768xf32, #tpu.memory_space<hbm>>
    tpu.enqueue_indirect_dma source(%dma_start3A_25 : memref<256000x768xf32, #tpu.memory_space<hbm>>) target(%dma_start3A_19 : memref<32x768xf32, #tpu.memory_space<vmem>>) offsets(%dma_start3A_22 : memref<32xi32, #tpu.memory_space<vmem>>) semaphore(%arg7 : memref<!tpu.dma_semaphore, #tpu.memory_space<semaphore_mem>>)
    %dma_start3A_26 = arith.constant 2 : i32
    %dma_start3A_27 = arith.constant 2 : i32
    %dma_start3A_28 = arith.constant 0 : i32
    %dma_start3A_29 = arith.constant 0 : i32
    %dma_start3A_30 = tpu.memref_slice %arg6[%dma_start3A_27, %dma_start3A_28, %dma_start3A_29] : memref<4x32x768xf32, #tpu.memory_space<vmem>> -> memref<1x32x768xf32, #tpu.memory_space<vmem>>
    %dma_start3A_31 = tpu.memref_squeeze %dma_start3A_30 : memref<1x32x768xf32, #tpu.memory_space<vmem>> -> memref<32x768xf32, #tpu.memory_space<vmem>>
    %dma_start3A_32 = arith.constant 0 : i32
    %dma_start3A_33 = tpu.memref_slice %arg5[%dma_start3A_26, %dma_start3A_32] : memref<256x32xi32, #tpu.memory_space<vmem>> -> memref<1x32xi32, #tpu.memory_space<vmem>>
    %dma_start3A_34 = tpu.memref_squeeze %dma_start3A_33 : memref<1x32xi32, #tpu.memory_space<vmem>> -> memref<32xi32, #tpu.memory_space<vmem>>
    %dma_start3A_35 = arith.constant 0 : i32
    %dma_start3A_36 = arith.constant 0 : i32
    %dma_start3A_37 = tpu.memref_slice %arg3[%dma_start3A_35, %dma_start3A_36] : memref<256000x768xf32, #tpu.memory_space<hbm>> -> memref<256000x768xf32, #tpu.memory_space<hbm>>
    tpu.enqueue_indirect_dma source(%dma_start3A_37 : memref<256000x768xf32, #tpu.memory_space<hbm>>) target(%dma_start3A_31 : memref<32x768xf32, #tpu.memory_space<vmem>>) offsets(%dma_start3A_34 : memref<32xi32, #tpu.memory_space<vmem>>) semaphore(%arg7 : memref<!tpu.dma_semaphore, #tpu.memory_space<semaphore_mem>>)
    %dma_start3A_38 = arith.constant 3 : i32
    %dma_start3A_39 = arith.constant 3 : i32
    %dma_start3A_40 = arith.constant 0 : i32
    %dma_start3A_41 = arith.constant 0 : i32
    %dma_start3A_42 = tpu.memref_slice %arg6[%dma_start3A_39, %dma_start3A_40, %dma_start3A_41] : memref<4x32x768xf32, #tpu.memory_space<vmem>> -> memref<1x32x768xf32, #tpu.memory_space<vmem>>
    %dma_start3A_43 = tpu.memref_squeeze %dma_start3A_42 : memref<1x32x768xf32, #tpu.memory_space<vmem>> -> memref<32x768xf32, #tpu.memory_space<vmem>>
    %dma_start3A_44 = arith.constant 0 : i32
    %dma_start3A_45 = tpu.memref_slice %arg5[%dma_start3A_38, %dma_start3A_44] : memref<256x32xi32, #tpu.memory_space<vmem>> -> memref<1x32xi32, #tpu.memory_space<vmem>>
    %dma_start3A_46 = tpu.memref_squeeze %dma_start3A_45 : memref<1x32xi32, #tpu.memory_space<vmem>> -> memref<32xi32, #tpu.memory_space<vmem>>
    %dma_start3A_47 = arith.constant 0 : i32
    %dma_start3A_48 = arith.constant 0 : i32
    %dma_start3A_49 = tpu.memref_slice %arg3[%dma_start3A_47, %dma_start3A_48] : memref<256000x768xf32, #tpu.memory_space<hbm>> -> memref<256000x768xf32, #tpu.memory_space<hbm>>
    tpu.enqueue_indirect_dma source(%dma_start3A_49 : memref<256000x768xf32, #tpu.memory_space<hbm>>) target(%dma_start3A_43 : memref<32x768xf32, #tpu.memory_space<vmem>>) offsets(%dma_start3A_46 : memref<32xi32, #tpu.memory_space<vmem>>) semaphore(%arg7 : memref<!tpu.dma_semaphore, #tpu.memory_space<semaphore_mem>>)
    %scan3A = arith.constant 0 : i32
    %scan3A_50 = arith.constant 0 : i32
    %scan3A_51 = arith.constant 64 : i32
    %scan3A_52 = arith.addi %scan3A_50, %scan3A_51 : i32
    %scan3A_53 = arith.constant 1 : i32
    scf.for %scan3A_114 = %scan3A_50 to %scan3A_52 step %scan3A_53  : i32 {
      %mul3A_115 = arith.constant 4 : i32
      %mul3A_116 = arith.muli %scan3A_114, %mul3A_115 : i32
      %add3A_117 = arith.constant 0 : i32
      %add3A_118 = arith.addi %mul3A_116, %add3A_117 : i32
      %ge3A = arith.constant 1 : i32
      %ge3A_119 = arith.cmpi sge, %add3A_118, %ge3A : i32
      %add3A_120 = arith.constant 4 : i32
      %add3A_121 = arith.addi %add3A_118, %add3A_120 : i32
      %sub3A = arith.constant 1 : i32
      %sub3A_122 = arith.subi %add3A_121, %sub3A : i32
      %lt3A = arith.constant 256 : i32
      %lt3A_123 = arith.cmpi slt, %sub3A_122, %lt3A : i32
      %and3A = arith.andi %ge3A_119, %lt3A_123 : i1
      %convert_element_type3A = arith.extui %and3A : i1 to i32
      %cond3A = arith.constant 0 : i32
      %cond3A_124 = arith.cmpi ne, %convert_element_type3A, %cond3A : i32
      scf.if %cond3A_124 {
        %sub3A_281 = arith.constant 1 : i32
        %sub3A_282 = arith.subi %add3A_118, %sub3A_281 : i32
        %mul3A_283 = arith.constant 32 : i32
        %mul3A_284 = arith.muli %sub3A_282, %mul3A_283 : i32
        %add3A_285 = arith.addi %mul3A_2, %mul3A_284 : i32
        %dma_wait3A_286 = arith.constant 3 : i32
        %dma_wait3A_287 = arith.constant 0 : i32
        %dma_wait3A_288 = arith.constant 0 : i32
        %dma_wait3A_289 = tpu.memref_slice %arg6[%dma_wait3A_286, %dma_wait3A_287, %dma_wait3A_288] : memref<4x32x768xf32, #tpu.memory_space<vmem>> -> memref<1x32x768xf32, #tpu.memory_space<vmem>>
        %dma_wait3A_290 = tpu.memref_squeeze %dma_wait3A_289 : memref<1x32x768xf32, #tpu.memory_space<vmem>> -> memref<32x768xf32, #tpu.memory_space<vmem>>
        %dma_wait3A_291 = arith.constant 0 : i32
        %dma_wait3A_292 = tpu.memref_slice %arg4[%add3A_285, %dma_wait3A_291] : memref<262144x768xf32, #tpu.memory_space<hbm>> -> memref<32x768xf32, #tpu.memory_space<hbm>>
        %dma_wait3A_293 = arith.constant 0 : i32
        %dma_wait3A_294 = tpu.memref_slice %arg4[%add3A_285, %dma_wait3A_293] : memref<262144x768xf32, #tpu.memory_space<hbm>> -> memref<32x768xf32, #tpu.memory_space<hbm>>
        %dma_wait3A_295 = arith.constant 0 : i32
        %dma_wait3A_296 = arith.constant 0 : i32
        %dma_wait3A_297 = tpu.memref_slice %arg6[%dma_wait3A_286, %dma_wait3A_295, %dma_wait3A_296] : memref<4x32x768xf32, #tpu.memory_space<vmem>> -> memref<1x32x768xf32, #tpu.memory_space<vmem>>
        %dma_wait3A_298 = tpu.memref_squeeze %dma_wait3A_297 : memref<1x32x768xf32, #tpu.memory_space<vmem>> -> memref<32x768xf32, #tpu.memory_space<vmem>>
        tpu.wait_dma2 semaphore(%arg8 : memref<!tpu.dma_semaphore, #tpu.memory_space<semaphore_mem>>) src(%dma_wait3A_298 : memref<32x768xf32, #tpu.memory_space<vmem>>) dst(%dma_wait3A_294 : memref<32x768xf32, #tpu.memory_space<hbm>>)
        %add3A_299 = arith.constant 4 : i32
        %add3A_300 = arith.addi %add3A_118, %add3A_299 : i32
        %sub3A_301 = arith.constant 1 : i32
        %sub3A_302 = arith.subi %add3A_300, %sub3A_301 : i32
        %dma_start3A_303 = arith.constant 3 : i32
        %dma_start3A_304 = arith.constant 0 : i32
        %dma_start3A_305 = arith.constant 0 : i32
        %dma_start3A_306 = tpu.memref_slice %arg6[%dma_start3A_303, %dma_start3A_304, %dma_start3A_305] : memref<4x32x768xf32, #tpu.memory_space<vmem>> -> memref<1x32x768xf32, #tpu.memory_space<vmem>>
        %dma_start3A_307 = tpu.memref_squeeze %dma_start3A_306 : memref<1x32x768xf32, #tpu.memory_space<vmem>> -> memref<32x768xf32, #tpu.memory_space<vmem>>
        %dma_start3A_308 = arith.constant 0 : i32
        %dma_start3A_309 = tpu.memref_slice %arg5[%sub3A_302, %dma_start3A_308] : memref<256x32xi32, #tpu.memory_space<vmem>> -> memref<1x32xi32, #tpu.memory_space<vmem>>
        %dma_start3A_310 = tpu.memref_squeeze %dma_start3A_309 : memref<1x32xi32, #tpu.memory_space<vmem>> -> memref<32xi32, #tpu.memory_space<vmem>>
        %dma_start3A_311 = arith.constant 0 : i32
        %dma_start3A_312 = arith.constant 0 : i32
        %dma_start3A_313 = tpu.memref_slice %arg3[%dma_start3A_311, %dma_start3A_312] : memref<256000x768xf32, #tpu.memory_space<hbm>> -> memref<256000x768xf32, #tpu.memory_space<hbm>>
        tpu.enqueue_indirect_dma source(%dma_start3A_313 : memref<256000x768xf32, #tpu.memory_space<hbm>>) target(%dma_start3A_307 : memref<32x768xf32, #tpu.memory_space<vmem>>) offsets(%dma_start3A_310 : memref<32xi32, #tpu.memory_space<vmem>>) semaphore(%arg7 : memref<!tpu.dma_semaphore, #tpu.memory_space<semaphore_mem>>)
      } else {
      }
      %dma_wait3A_125 = arith.constant 0 : i32
      %dma_wait3A_126 = arith.constant 0 : i32
      %dma_wait3A_127 = arith.constant 0 : i32
      %dma_wait3A_128 = tpu.memref_slice %arg6[%dma_wait3A_125, %dma_wait3A_126, %dma_wait3A_127] : memref<4x32x768xf32, #tpu.memory_space<vmem>> -> memref<1x32x768xf32, #tpu.memory_space<vmem>>
      %dma_wait3A_129 = tpu.memref_squeeze %dma_wait3A_128 : memref<1x32x768xf32, #tpu.memory_space<vmem>> -> memref<32x768xf32, #tpu.memory_space<vmem>>
      %dma_wait3A_130 = arith.constant 0 : i32
      %dma_wait3A_131 = tpu.memref_slice %arg5[%add3A_118, %dma_wait3A_130] : memref<256x32xi32, #tpu.memory_space<vmem>> -> memref<1x32xi32, #tpu.memory_space<vmem>>
      %dma_wait3A_132 = tpu.memref_squeeze %dma_wait3A_131 : memref<1x32xi32, #tpu.memory_space<vmem>> -> memref<32xi32, #tpu.memory_space<vmem>>
      %dma_wait3A_133 = arith.constant 0 : i32
      %dma_wait3A_134 = arith.constant 0 : i32
      %dma_wait3A_135 = tpu.memref_slice %arg3[%dma_wait3A_133, %dma_wait3A_134] : memref<256000x768xf32, #tpu.memory_space<hbm>> -> memref<256000x768xf32, #tpu.memory_space<hbm>>
      tpu.wait_indirect_dma semaphore(%arg7 : memref<!tpu.dma_semaphore, #tpu.memory_space<semaphore_mem>>) src(%dma_wait3A_135 : memref<256000x768xf32, #tpu.memory_space<hbm>>) dst(%dma_wait3A_129 : memref<32x768xf32, #tpu.memory_space<vmem>>)
      %mul3A_136 = arith.constant 32 : i32
      %mul3A_137 = arith.muli %add3A_118, %mul3A_136 : i32
      %add3A_138 = arith.addi %mul3A_2, %mul3A_137 : i32
      %dma_start3A_139 = arith.constant 0 : i32
      %dma_start3A_140 = arith.constant 0 : i32
      %dma_start3A_141 = arith.constant 0 : i32
      %dma_start3A_142 = tpu.memref_slice %arg6[%dma_start3A_139, %dma_start3A_140, %dma_start3A_141] : memref<4x32x768xf32, #tpu.memory_space<vmem>> -> memref<1x32x768xf32, #tpu.memory_space<vmem>>
      %dma_start3A_143 = tpu.memref_squeeze %dma_start3A_142 : memref<1x32x768xf32, #tpu.memory_space<vmem>> -> memref<32x768xf32, #tpu.memory_space<vmem>>
      %dma_start3A_144 = arith.constant 0 : i32
      %dma_start3A_145 = tpu.memref_slice %arg4[%add3A_138, %dma_start3A_144] : memref<262144x768xf32, #tpu.memory_space<hbm>> -> memref<32x768xf32, #tpu.memory_space<hbm>>
      %dma_start3A_146 = arith.constant 0 : i32
      %dma_start3A_147 = tpu.memref_slice %arg4[%add3A_138, %dma_start3A_146] : memref<262144x768xf32, #tpu.memory_space<hbm>> -> memref<32x768xf32, #tpu.memory_space<hbm>>
      %dma_start3A_148 = arith.constant 0 : i32
      %dma_start3A_149 = arith.constant 0 : i32
      %dma_start3A_150 = tpu.memref_slice %arg6[%dma_start3A_139, %dma_start3A_148, %dma_start3A_149] : memref<4x32x768xf32, #tpu.memory_space<vmem>> -> memref<1x32x768xf32, #tpu.memory_space<vmem>>
      %dma_start3A_151 = tpu.memref_squeeze %dma_start3A_150 : memref<1x32x768xf32, #tpu.memory_space<vmem>> -> memref<32x768xf32, #tpu.memory_space<vmem>>
      tpu.enqueue_dma source(%dma_start3A_151 : memref<32x768xf32, #tpu.memory_space<vmem>>) target(%dma_start3A_147 : memref<32x768xf32, #tpu.memory_space<hbm>>) target_semaphore(%arg8 : memref<!tpu.dma_semaphore, #tpu.memory_space<semaphore_mem>>)
      %mul3A_152 = arith.constant 4 : i32
      %mul3A_153 = arith.muli %scan3A_114, %mul3A_152 : i32
      %add3A_154 = arith.constant 1 : i32
      %add3A_155 = arith.addi %mul3A_153, %add3A_154 : i32
      %ge3A_156 = arith.constant 1 : i32
      %ge3A_157 = arith.cmpi sge, %add3A_155, %ge3A_156 : i32
      %add3A_158 = arith.constant 4 : i32
      %add3A_159 = arith.addi %add3A_155, %add3A_158 : i32
      %sub3A_160 = arith.constant 1 : i32
      %sub3A_161 = arith.subi %add3A_159, %sub3A_160 : i32
      %lt3A_162 = arith.constant 256 : i32
      %lt3A_163 = arith.cmpi slt, %sub3A_161, %lt3A_162 : i32
      %and3A_164 = arith.andi %ge3A_157, %lt3A_163 : i1
      %convert_element_type3A_165 = arith.extui %and3A_164 : i1 to i32
      %cond3A_166 = arith.constant 0 : i32
      %cond3A_167 = arith.cmpi ne, %convert_element_type3A_165, %cond3A_166 : i32
      scf.if %cond3A_167 {
        %sub3A_281 = arith.constant 1 : i32
        %sub3A_282 = arith.subi %add3A_155, %sub3A_281 : i32
        %mul3A_283 = arith.constant 32 : i32
        %mul3A_284 = arith.muli %sub3A_282, %mul3A_283 : i32
        %add3A_285 = arith.addi %mul3A_2, %mul3A_284 : i32
        %dma_wait3A_286 = arith.constant 0 : i32
        %dma_wait3A_287 = arith.constant 0 : i32
        %dma_wait3A_288 = arith.constant 0 : i32
        %dma_wait3A_289 = tpu.memref_slice %arg6[%dma_wait3A_286, %dma_wait3A_287, %dma_wait3A_288] : memref<4x32x768xf32, #tpu.memory_space<vmem>> -> memref<1x32x768xf32, #tpu.memory_space<vmem>>
        %dma_wait3A_290 = tpu.memref_squeeze %dma_wait3A_289 : memref<1x32x768xf32, #tpu.memory_space<vmem>> -> memref<32x768xf32, #tpu.memory_space<vmem>>
        %dma_wait3A_291 = arith.constant 0 : i32
        %dma_wait3A_292 = tpu.memref_slice %arg4[%add3A_285, %dma_wait3A_291] : memref<262144x768xf32, #tpu.memory_space<hbm>> -> memref<32x768xf32, #tpu.memory_space<hbm>>
        %dma_wait3A_293 = arith.constant 0 : i32
        %dma_wait3A_294 = tpu.memref_slice %arg4[%add3A_285, %dma_wait3A_293] : memref<262144x768xf32, #tpu.memory_space<hbm>> -> memref<32x768xf32, #tpu.memory_space<hbm>>
        %dma_wait3A_295 = arith.constant 0 : i32
        %dma_wait3A_296 = arith.constant 0 : i32
        %dma_wait3A_297 = tpu.memref_slice %arg6[%dma_wait3A_286, %dma_wait3A_295, %dma_wait3A_296] : memref<4x32x768xf32, #tpu.memory_space<vmem>> -> memref<1x32x768xf32, #tpu.memory_space<vmem>>
        %dma_wait3A_298 = tpu.memref_squeeze %dma_wait3A_297 : memref<1x32x768xf32, #tpu.memory_space<vmem>> -> memref<32x768xf32, #tpu.memory_space<vmem>>
        tpu.wait_dma2 semaphore(%arg8 : memref<!tpu.dma_semaphore, #tpu.memory_space<semaphore_mem>>) src(%dma_wait3A_298 : memref<32x768xf32, #tpu.memory_space<vmem>>) dst(%dma_wait3A_294 : memref<32x768xf32, #tpu.memory_space<hbm>>)
        %add3A_299 = arith.constant 4 : i32
        %add3A_300 = arith.addi %add3A_155, %add3A_299 : i32
        %sub3A_301 = arith.constant 1 : i32
        %sub3A_302 = arith.subi %add3A_300, %sub3A_301 : i32
        %dma_start3A_303 = arith.constant 0 : i32
        %dma_start3A_304 = arith.constant 0 : i32
        %dma_start3A_305 = arith.constant 0 : i32
        %dma_start3A_306 = tpu.memref_slice %arg6[%dma_start3A_303, %dma_start3A_304, %dma_start3A_305] : memref<4x32x768xf32, #tpu.memory_space<vmem>> -> memref<1x32x768xf32, #tpu.memory_space<vmem>>
        %dma_start3A_307 = tpu.memref_squeeze %dma_start3A_306 : memref<1x32x768xf32, #tpu.memory_space<vmem>> -> memref<32x768xf32, #tpu.memory_space<vmem>>
        %dma_start3A_308 = arith.constant 0 : i32
        %dma_start3A_309 = tpu.memref_slice %arg5[%sub3A_302, %dma_start3A_308] : memref<256x32xi32, #tpu.memory_space<vmem>> -> memref<1x32xi32, #tpu.memory_space<vmem>>
        %dma_start3A_310 = tpu.memref_squeeze %dma_start3A_309 : memref<1x32xi32, #tpu.memory_space<vmem>> -> memref<32xi32, #tpu.memory_space<vmem>>
        %dma_start3A_311 = arith.constant 0 : i32
        %dma_start3A_312 = arith.constant 0 : i32
        %dma_start3A_313 = tpu.memref_slice %arg3[%dma_start3A_311, %dma_start3A_312] : memref<256000x768xf32, #tpu.memory_space<hbm>> -> memref<256000x768xf32, #tpu.memory_space<hbm>>
        tpu.enqueue_indirect_dma source(%dma_start3A_313 : memref<256000x768xf32, #tpu.memory_space<hbm>>) target(%dma_start3A_307 : memref<32x768xf32, #tpu.memory_space<vmem>>) offsets(%dma_start3A_310 : memref<32xi32, #tpu.memory_space<vmem>>) semaphore(%arg7 : memref<!tpu.dma_semaphore, #tpu.memory_space<semaphore_mem>>)
      } else {
      }
      %dma_wait3A_168 = arith.constant 1 : i32
      %dma_wait3A_169 = arith.constant 0 : i32
      %dma_wait3A_170 = arith.constant 0 : i32
      %dma_wait3A_171 = tpu.memref_slice %arg6[%dma_wait3A_168, %dma_wait3A_169, %dma_wait3A_170] : memref<4x32x768xf32, #tpu.memory_space<vmem>> -> memref<1x32x768xf32, #tpu.memory_space<vmem>>
      %dma_wait3A_172 = tpu.memref_squeeze %dma_wait3A_171 : memref<1x32x768xf32, #tpu.memory_space<vmem>> -> memref<32x768xf32, #tpu.memory_space<vmem>>
      %dma_wait3A_173 = arith.constant 0 : i32
      %dma_wait3A_174 = tpu.memref_slice %arg5[%add3A_155, %dma_wait3A_173] : memref<256x32xi32, #tpu.memory_space<vmem>> -> memref<1x32xi32, #tpu.memory_space<vmem>>
      %dma_wait3A_175 = tpu.memref_squeeze %dma_wait3A_174 : memref<1x32xi32, #tpu.memory_space<vmem>> -> memref<32xi32, #tpu.memory_space<vmem>>
      %dma_wait3A_176 = arith.constant 0 : i32
      %dma_wait3A_177 = arith.constant 0 : i32
      %dma_wait3A_178 = tpu.memref_slice %arg3[%dma_wait3A_176, %dma_wait3A_177] : memref<256000x768xf32, #tpu.memory_space<hbm>> -> memref<256000x768xf32, #tpu.memory_space<hbm>>
      tpu.wait_indirect_dma semaphore(%arg7 : memref<!tpu.dma_semaphore, #tpu.memory_space<semaphore_mem>>) src(%dma_wait3A_178 : memref<256000x768xf32, #tpu.memory_space<hbm>>) dst(%dma_wait3A_172 : memref<32x768xf32, #tpu.memory_space<vmem>>)
      %mul3A_179 = arith.constant 32 : i32
      %mul3A_180 = arith.muli %add3A_155, %mul3A_179 : i32
      %add3A_181 = arith.addi %mul3A_2, %mul3A_180 : i32
      %dma_start3A_182 = arith.constant 1 : i32
      %dma_start3A_183 = arith.constant 0 : i32
      %dma_start3A_184 = arith.constant 0 : i32
      %dma_start3A_185 = tpu.memref_slice %arg6[%dma_start3A_182, %dma_start3A_183, %dma_start3A_184] : memref<4x32x768xf32, #tpu.memory_space<vmem>> -> memref<1x32x768xf32, #tpu.memory_space<vmem>>
      %dma_start3A_186 = tpu.memref_squeeze %dma_start3A_185 : memref<1x32x768xf32, #tpu.memory_space<vmem>> -> memref<32x768xf32, #tpu.memory_space<vmem>>
      %dma_start3A_187 = arith.constant 0 : i32
      %dma_start3A_188 = tpu.memref_slice %arg4[%add3A_181, %dma_start3A_187] : memref<262144x768xf32, #tpu.memory_space<hbm>> -> memref<32x768xf32, #tpu.memory_space<hbm>>
      %dma_start3A_189 = arith.constant 0 : i32
      %dma_start3A_190 = tpu.memref_slice %arg4[%add3A_181, %dma_start3A_189] : memref<262144x768xf32, #tpu.memory_space<hbm>> -> memref<32x768xf32, #tpu.memory_space<hbm>>
      %dma_start3A_191 = arith.constant 0 : i32
      %dma_start3A_192 = arith.constant 0 : i32
      %dma_start3A_193 = tpu.memref_slice %arg6[%dma_start3A_182, %dma_start3A_191, %dma_start3A_192] : memref<4x32x768xf32, #tpu.memory_space<vmem>> -> memref<1x32x768xf32, #tpu.memory_space<vmem>>
      %dma_start3A_194 = tpu.memref_squeeze %dma_start3A_193 : memref<1x32x768xf32, #tpu.memory_space<vmem>> -> memref<32x768xf32, #tpu.memory_space<vmem>>
      tpu.enqueue_dma source(%dma_start3A_194 : memref<32x768xf32, #tpu.memory_space<vmem>>) target(%dma_start3A_190 : memref<32x768xf32, #tpu.memory_space<hbm>>) target_semaphore(%arg8 : memref<!tpu.dma_semaphore, #tpu.memory_space<semaphore_mem>>)
      %mul3A_195 = arith.constant 4 : i32
      %mul3A_196 = arith.muli %scan3A_114, %mul3A_195 : i32
      %add3A_197 = arith.constant 2 : i32
      %add3A_198 = arith.addi %mul3A_196, %add3A_197 : i32
      %ge3A_199 = arith.constant 1 : i32
      %ge3A_200 = arith.cmpi sge, %add3A_198, %ge3A_199 : i32
      %add3A_201 = arith.constant 4 : i32
      %add3A_202 = arith.addi %add3A_198, %add3A_201 : i32
      %sub3A_203 = arith.constant 1 : i32
      %sub3A_204 = arith.subi %add3A_202, %sub3A_203 : i32
      %lt3A_205 = arith.constant 256 : i32
      %lt3A_206 = arith.cmpi slt, %sub3A_204, %lt3A_205 : i32
      %and3A_207 = arith.andi %ge3A_200, %lt3A_206 : i1
      %convert_element_type3A_208 = arith.extui %and3A_207 : i1 to i32
      %cond3A_209 = arith.constant 0 : i32
      %cond3A_210 = arith.cmpi ne, %convert_element_type3A_208, %cond3A_209 : i32
      scf.if %cond3A_210 {
        %sub3A_281 = arith.constant 1 : i32
        %sub3A_282 = arith.subi %add3A_198, %sub3A_281 : i32
        %mul3A_283 = arith.constant 32 : i32
        %mul3A_284 = arith.muli %sub3A_282, %mul3A_283 : i32
        %add3A_285 = arith.addi %mul3A_2, %mul3A_284 : i32
        %dma_wait3A_286 = arith.constant 1 : i32
        %dma_wait3A_287 = arith.constant 0 : i32
        %dma_wait3A_288 = arith.constant 0 : i32
        %dma_wait3A_289 = tpu.memref_slice %arg6[%dma_wait3A_286, %dma_wait3A_287, %dma_wait3A_288] : memref<4x32x768xf32, #tpu.memory_space<vmem>> -> memref<1x32x768xf32, #tpu.memory_space<vmem>>
        %dma_wait3A_290 = tpu.memref_squeeze %dma_wait3A_289 : memref<1x32x768xf32, #tpu.memory_space<vmem>> -> memref<32x768xf32, #tpu.memory_space<vmem>>
        %dma_wait3A_291 = arith.constant 0 : i32
        %dma_wait3A_292 = tpu.memref_slice %arg4[%add3A_285, %dma_wait3A_291] : memref<262144x768xf32, #tpu.memory_space<hbm>> -> memref<32x768xf32, #tpu.memory_space<hbm>>
        %dma_wait3A_293 = arith.constant 0 : i32
        %dma_wait3A_294 = tpu.memref_slice %arg4[%add3A_285, %dma_wait3A_293] : memref<262144x768xf32, #tpu.memory_space<hbm>> -> memref<32x768xf32, #tpu.memory_space<hbm>>
        %dma_wait3A_295 = arith.constant 0 : i32
        %dma_wait3A_296 = arith.constant 0 : i32
        %dma_wait3A_297 = tpu.memref_slice %arg6[%dma_wait3A_286, %dma_wait3A_295, %dma_wait3A_296] : memref<4x32x768xf32, #tpu.memory_space<vmem>> -> memref<1x32x768xf32, #tpu.memory_space<vmem>>
        %dma_wait3A_298 = tpu.memref_squeeze %dma_wait3A_297 : memref<1x32x768xf32, #tpu.memory_space<vmem>> -> memref<32x768xf32, #tpu.memory_space<vmem>>
        tpu.wait_dma2 semaphore(%arg8 : memref<!tpu.dma_semaphore, #tpu.memory_space<semaphore_mem>>) src(%dma_wait3A_298 : memref<32x768xf32, #tpu.memory_space<vmem>>) dst(%dma_wait3A_294 : memref<32x768xf32, #tpu.memory_space<hbm>>)
        %add3A_299 = arith.constant 4 : i32
        %add3A_300 = arith.addi %add3A_198, %add3A_299 : i32
        %sub3A_301 = arith.constant 1 : i32
        %sub3A_302 = arith.subi %add3A_300, %sub3A_301 : i32
        %dma_start3A_303 = arith.constant 1 : i32
        %dma_start3A_304 = arith.constant 0 : i32
        %dma_start3A_305 = arith.constant 0 : i32
        %dma_start3A_306 = tpu.memref_slice %arg6[%dma_start3A_303, %dma_start3A_304, %dma_start3A_305] : memref<4x32x768xf32, #tpu.memory_space<vmem>> -> memref<1x32x768xf32, #tpu.memory_space<vmem>>
        %dma_start3A_307 = tpu.memref_squeeze %dma_start3A_306 : memref<1x32x768xf32, #tpu.memory_space<vmem>> -> memref<32x768xf32, #tpu.memory_space<vmem>>
        %dma_start3A_308 = arith.constant 0 : i32
        %dma_start3A_309 = tpu.memref_slice %arg5[%sub3A_302, %dma_start3A_308] : memref<256x32xi32, #tpu.memory_space<vmem>> -> memref<1x32xi32, #tpu.memory_space<vmem>>
        %dma_start3A_310 = tpu.memref_squeeze %dma_start3A_309 : memref<1x32xi32, #tpu.memory_space<vmem>> -> memref<32xi32, #tpu.memory_space<vmem>>
        %dma_start3A_311 = arith.constant 0 : i32
        %dma_start3A_312 = arith.constant 0 : i32
        %dma_start3A_313 = tpu.memref_slice %arg3[%dma_start3A_311, %dma_start3A_312] : memref<256000x768xf32, #tpu.memory_space<hbm>> -> memref<256000x768xf32, #tpu.memory_space<hbm>>
        tpu.enqueue_indirect_dma source(%dma_start3A_313 : memref<256000x768xf32, #tpu.memory_space<hbm>>) target(%dma_start3A_307 : memref<32x768xf32, #tpu.memory_space<vmem>>) offsets(%dma_start3A_310 : memref<32xi32, #tpu.memory_space<vmem>>) semaphore(%arg7 : memref<!tpu.dma_semaphore, #tpu.memory_space<semaphore_mem>>)
      } else {
      }
      %dma_wait3A_211 = arith.constant 2 : i32
      %dma_wait3A_212 = arith.constant 0 : i32
      %dma_wait3A_213 = arith.constant 0 : i32
      %dma_wait3A_214 = tpu.memref_slice %arg6[%dma_wait3A_211, %dma_wait3A_212, %dma_wait3A_213] : memref<4x32x768xf32, #tpu.memory_space<vmem>> -> memref<1x32x768xf32, #tpu.memory_space<vmem>>
      %dma_wait3A_215 = tpu.memref_squeeze %dma_wait3A_214 : memref<1x32x768xf32, #tpu.memory_space<vmem>> -> memref<32x768xf32, #tpu.memory_space<vmem>>
      %dma_wait3A_216 = arith.constant 0 : i32
      %dma_wait3A_217 = tpu.memref_slice %arg5[%add3A_198, %dma_wait3A_216] : memref<256x32xi32, #tpu.memory_space<vmem>> -> memref<1x32xi32, #tpu.memory_space<vmem>>
      %dma_wait3A_218 = tpu.memref_squeeze %dma_wait3A_217 : memref<1x32xi32, #tpu.memory_space<vmem>> -> memref<32xi32, #tpu.memory_space<vmem>>
      %dma_wait3A_219 = arith.constant 0 : i32
      %dma_wait3A_220 = arith.constant 0 : i32
      %dma_wait3A_221 = tpu.memref_slice %arg3[%dma_wait3A_219, %dma_wait3A_220] : memref<256000x768xf32, #tpu.memory_space<hbm>> -> memref<256000x768xf32, #tpu.memory_space<hbm>>
      tpu.wait_indirect_dma semaphore(%arg7 : memref<!tpu.dma_semaphore, #tpu.memory_space<semaphore_mem>>) src(%dma_wait3A_221 : memref<256000x768xf32, #tpu.memory_space<hbm>>) dst(%dma_wait3A_215 : memref<32x768xf32, #tpu.memory_space<vmem>>)
      %mul3A_222 = arith.constant 32 : i32
      %mul3A_223 = arith.muli %add3A_198, %mul3A_222 : i32
      %add3A_224 = arith.addi %mul3A_2, %mul3A_223 : i32
      %dma_start3A_225 = arith.constant 2 : i32
      %dma_start3A_226 = arith.constant 0 : i32
      %dma_start3A_227 = arith.constant 0 : i32
      %dma_start3A_228 = tpu.memref_slice %arg6[%dma_start3A_225, %dma_start3A_226, %dma_start3A_227] : memref<4x32x768xf32, #tpu.memory_space<vmem>> -> memref<1x32x768xf32, #tpu.memory_space<vmem>>
      %dma_start3A_229 = tpu.memref_squeeze %dma_start3A_228 : memref<1x32x768xf32, #tpu.memory_space<vmem>> -> memref<32x768xf32, #tpu.memory_space<vmem>>
      %dma_start3A_230 = arith.constant 0 : i32
      %dma_start3A_231 = tpu.memref_slice %arg4[%add3A_224, %dma_start3A_230] : memref<262144x768xf32, #tpu.memory_space<hbm>> -> memref<32x768xf32, #tpu.memory_space<hbm>>
      %dma_start3A_232 = arith.constant 0 : i32
      %dma_start3A_233 = tpu.memref_slice %arg4[%add3A_224, %dma_start3A_232] : memref<262144x768xf32, #tpu.memory_space<hbm>> -> memref<32x768xf32, #tpu.memory_space<hbm>>
      %dma_start3A_234 = arith.constant 0 : i32
      %dma_start3A_235 = arith.constant 0 : i32
      %dma_start3A_236 = tpu.memref_slice %arg6[%dma_start3A_225, %dma_start3A_234, %dma_start3A_235] : memref<4x32x768xf32, #tpu.memory_space<vmem>> -> memref<1x32x768xf32, #tpu.memory_space<vmem>>
      %dma_start3A_237 = tpu.memref_squeeze %dma_start3A_236 : memref<1x32x768xf32, #tpu.memory_space<vmem>> -> memref<32x768xf32, #tpu.memory_space<vmem>>
      tpu.enqueue_dma source(%dma_start3A_237 : memref<32x768xf32, #tpu.memory_space<vmem>>) target(%dma_start3A_233 : memref<32x768xf32, #tpu.memory_space<hbm>>) target_semaphore(%arg8 : memref<!tpu.dma_semaphore, #tpu.memory_space<semaphore_mem>>)
      %mul3A_238 = arith.constant 4 : i32
      %mul3A_239 = arith.muli %scan3A_114, %mul3A_238 : i32
      %add3A_240 = arith.constant 3 : i32
      %add3A_241 = arith.addi %mul3A_239, %add3A_240 : i32
      %ge3A_242 = arith.constant 1 : i32
      %ge3A_243 = arith.cmpi sge, %add3A_241, %ge3A_242 : i32
      %add3A_244 = arith.constant 4 : i32
      %add3A_245 = arith.addi %add3A_241, %add3A_244 : i32
      %sub3A_246 = arith.constant 1 : i32
      %sub3A_247 = arith.subi %add3A_245, %sub3A_246 : i32
      %lt3A_248 = arith.constant 256 : i32
      %lt3A_249 = arith.cmpi slt, %sub3A_247, %lt3A_248 : i32
      %and3A_250 = arith.andi %ge3A_243, %lt3A_249 : i1
      %convert_element_type3A_251 = arith.extui %and3A_250 : i1 to i32
      %cond3A_252 = arith.constant 0 : i32
      %cond3A_253 = arith.cmpi ne, %convert_element_type3A_251, %cond3A_252 : i32
      scf.if %cond3A_253 {
        %sub3A_281 = arith.constant 1 : i32
        %sub3A_282 = arith.subi %add3A_241, %sub3A_281 : i32
        %mul3A_283 = arith.constant 32 : i32
        %mul3A_284 = arith.muli %sub3A_282, %mul3A_283 : i32
        %add3A_285 = arith.addi %mul3A_2, %mul3A_284 : i32
        %dma_wait3A_286 = arith.constant 2 : i32
        %dma_wait3A_287 = arith.constant 0 : i32
        %dma_wait3A_288 = arith.constant 0 : i32
        %dma_wait3A_289 = tpu.memref_slice %arg6[%dma_wait3A_286, %dma_wait3A_287, %dma_wait3A_288] : memref<4x32x768xf32, #tpu.memory_space<vmem>> -> memref<1x32x768xf32, #tpu.memory_space<vmem>>
        %dma_wait3A_290 = tpu.memref_squeeze %dma_wait3A_289 : memref<1x32x768xf32, #tpu.memory_space<vmem>> -> memref<32x768xf32, #tpu.memory_space<vmem>>
        %dma_wait3A_291 = arith.constant 0 : i32
        %dma_wait3A_292 = tpu.memref_slice %arg4[%add3A_285, %dma_wait3A_291] : memref<262144x768xf32, #tpu.memory_space<hbm>> -> memref<32x768xf32, #tpu.memory_space<hbm>>
        %dma_wait3A_293 = arith.constant 0 : i32
        %dma_wait3A_294 = tpu.memref_slice %arg4[%add3A_285, %dma_wait3A_293] : memref<262144x768xf32, #tpu.memory_space<hbm>> -> memref<32x768xf32, #tpu.memory_space<hbm>>
        %dma_wait3A_295 = arith.constant 0 : i32
        %dma_wait3A_296 = arith.constant 0 : i32
        %dma_wait3A_297 = tpu.memref_slice %arg6[%dma_wait3A_286, %dma_wait3A_295, %dma_wait3A_296] : memref<4x32x768xf32, #tpu.memory_space<vmem>> -> memref<1x32x768xf32, #tpu.memory_space<vmem>>
        %dma_wait3A_298 = tpu.memref_squeeze %dma_wait3A_297 : memref<1x32x768xf32, #tpu.memory_space<vmem>> -> memref<32x768xf32, #tpu.memory_space<vmem>>
        tpu.wait_dma2 semaphore(%arg8 : memref<!tpu.dma_semaphore, #tpu.memory_space<semaphore_mem>>) src(%dma_wait3A_298 : memref<32x768xf32, #tpu.memory_space<vmem>>) dst(%dma_wait3A_294 : memref<32x768xf32, #tpu.memory_space<hbm>>)
        %add3A_299 = arith.constant 4 : i32
        %add3A_300 = arith.addi %add3A_241, %add3A_299 : i32
        %sub3A_301 = arith.constant 1 : i32
        %sub3A_302 = arith.subi %add3A_300, %sub3A_301 : i32
        %dma_start3A_303 = arith.constant 2 : i32
        %dma_start3A_304 = arith.constant 0 : i32
        %dma_start3A_305 = arith.constant 0 : i32
        %dma_start3A_306 = tpu.memref_slice %arg6[%dma_start3A_303, %dma_start3A_304, %dma_start3A_305] : memref<4x32x768xf32, #tpu.memory_space<vmem>> -> memref<1x32x768xf32, #tpu.memory_space<vmem>>
        %dma_start3A_307 = tpu.memref_squeeze %dma_start3A_306 : memref<1x32x768xf32, #tpu.memory_space<vmem>> -> memref<32x768xf32, #tpu.memory_space<vmem>>
        %dma_start3A_308 = arith.constant 0 : i32
        %dma_start3A_309 = tpu.memref_slice %arg5[%sub3A_302, %dma_start3A_308] : memref<256x32xi32, #tpu.memory_space<vmem>> -> memref<1x32xi32, #tpu.memory_space<vmem>>
        %dma_start3A_310 = tpu.memref_squeeze %dma_start3A_309 : memref<1x32xi32, #tpu.memory_space<vmem>> -> memref<32xi32, #tpu.memory_space<vmem>>
        %dma_start3A_311 = arith.constant 0 : i32
        %dma_start3A_312 = arith.constant 0 : i32
        %dma_start3A_313 = tpu.memref_slice %arg3[%dma_start3A_311, %dma_start3A_312] : memref<256000x768xf32, #tpu.memory_space<hbm>> -> memref<256000x768xf32, #tpu.memory_space<hbm>>
        tpu.enqueue_indirect_dma source(%dma_start3A_313 : memref<256000x768xf32, #tpu.memory_space<hbm>>) target(%dma_start3A_307 : memref<32x768xf32, #tpu.memory_space<vmem>>) offsets(%dma_start3A_310 : memref<32xi32, #tpu.memory_space<vmem>>) semaphore(%arg7 : memref<!tpu.dma_semaphore, #tpu.memory_space<semaphore_mem>>)
      } else {
      }
      %dma_wait3A_254 = arith.constant 3 : i32
      %dma_wait3A_255 = arith.constant 0 : i32
      %dma_wait3A_256 = arith.constant 0 : i32
      %dma_wait3A_257 = tpu.memref_slice %arg6[%dma_wait3A_254, %dma_wait3A_255, %dma_wait3A_256] : memref<4x32x768xf32, #tpu.memory_space<vmem>> -> memref<1x32x768xf32, #tpu.memory_space<vmem>>
      %dma_wait3A_258 = tpu.memref_squeeze %dma_wait3A_257 : memref<1x32x768xf32, #tpu.memory_space<vmem>> -> memref<32x768xf32, #tpu.memory_space<vmem>>
      %dma_wait3A_259 = arith.constant 0 : i32
      %dma_wait3A_260 = tpu.memref_slice %arg5[%add3A_241, %dma_wait3A_259] : memref<256x32xi32, #tpu.memory_space<vmem>> -> memref<1x32xi32, #tpu.memory_space<vmem>>
      %dma_wait3A_261 = tpu.memref_squeeze %dma_wait3A_260 : memref<1x32xi32, #tpu.memory_space<vmem>> -> memref<32xi32, #tpu.memory_space<vmem>>
      %dma_wait3A_262 = arith.constant 0 : i32
      %dma_wait3A_263 = arith.constant 0 : i32
      %dma_wait3A_264 = tpu.memref_slice %arg3[%dma_wait3A_262, %dma_wait3A_263] : memref<256000x768xf32, #tpu.memory_space<hbm>> -> memref<256000x768xf32, #tpu.memory_space<hbm>>
      tpu.wait_indirect_dma semaphore(%arg7 : memref<!tpu.dma_semaphore, #tpu.memory_space<semaphore_mem>>) src(%dma_wait3A_264 : memref<256000x768xf32, #tpu.memory_space<hbm>>) dst(%dma_wait3A_258 : memref<32x768xf32, #tpu.memory_space<vmem>>)
      %mul3A_265 = arith.constant 32 : i32
      %mul3A_266 = arith.muli %add3A_241, %mul3A_265 : i32
      %add3A_267 = arith.addi %mul3A_2, %mul3A_266 : i32
      %dma_start3A_268 = arith.constant 3 : i32
      %dma_start3A_269 = arith.constant 0 : i32
      %dma_start3A_270 = arith.constant 0 : i32
      %dma_start3A_271 = tpu.memref_slice %arg6[%dma_start3A_268, %dma_start3A_269, %dma_start3A_270] : memref<4x32x768xf32, #tpu.memory_space<vmem>> -> memref<1x32x768xf32, #tpu.memory_space<vmem>>
      %dma_start3A_272 = tpu.memref_squeeze %dma_start3A_271 : memref<1x32x768xf32, #tpu.memory_space<vmem>> -> memref<32x768xf32, #tpu.memory_space<vmem>>
      %dma_start3A_273 = arith.constant 0 : i32
      %dma_start3A_274 = tpu.memref_slice %arg4[%add3A_267, %dma_start3A_273] : memref<262144x768xf32, #tpu.memory_space<hbm>> -> memref<32x768xf32, #tpu.memory_space<hbm>>
      %dma_start3A_275 = arith.constant 0 : i32
      %dma_start3A_276 = tpu.memref_slice %arg4[%add3A_267, %dma_start3A_275] : memref<262144x768xf32, #tpu.memory_space<hbm>> -> memref<32x768xf32, #tpu.memory_space<hbm>>
      %dma_start3A_277 = arith.constant 0 : i32
      %dma_start3A_278 = arith.constant 0 : i32
      %dma_start3A_279 = tpu.memref_slice %arg6[%dma_start3A_268, %dma_start3A_277, %dma_start3A_278] : memref<4x32x768xf32, #tpu.memory_space<vmem>> -> memref<1x32x768xf32, #tpu.memory_space<vmem>>
      %dma_start3A_280 = tpu.memref_squeeze %dma_start3A_279 : memref<1x32x768xf32, #tpu.memory_space<vmem>> -> memref<32x768xf32, #tpu.memory_space<vmem>>
      tpu.enqueue_dma source(%dma_start3A_280 : memref<32x768xf32, #tpu.memory_space<vmem>>) target(%dma_start3A_276 : memref<32x768xf32, #tpu.memory_space<hbm>>) target_semaphore(%arg8 : memref<!tpu.dma_semaphore, #tpu.memory_space<semaphore_mem>>)
    }
    %scan3A_54 = arith.constant 64 : i32
    %add3A_55 = arith.constant 8064 : i32
    %add3A_56 = arith.addi %mul3A_2, %add3A_55 : i32
    %dma_wait3A = arith.constant 0 : i32
    %dma_wait3A_57 = arith.constant 0 : i32
    %dma_wait3A_58 = arith.constant 0 : i32
    %dma_wait3A_59 = tpu.memref_slice %arg6[%dma_wait3A, %dma_wait3A_57, %dma_wait3A_58] : memref<4x32x768xf32, #tpu.memory_space<vmem>> -> memref<1x32x768xf32, #tpu.memory_space<vmem>>
    %dma_wait3A_60 = tpu.memref_squeeze %dma_wait3A_59 : memref<1x32x768xf32, #tpu.memory_space<vmem>> -> memref<32x768xf32, #tpu.memory_space<vmem>>
    %dma_wait3A_61 = arith.constant 0 : i32
    %dma_wait3A_62 = tpu.memref_slice %arg4[%add3A_56, %dma_wait3A_61] : memref<262144x768xf32, #tpu.memory_space<hbm>> -> memref<32x768xf32, #tpu.memory_space<hbm>>
    %dma_wait3A_63 = arith.constant 0 : i32
    %dma_wait3A_64 = tpu.memref_slice %arg4[%add3A_56, %dma_wait3A_63] : memref<262144x768xf32, #tpu.memory_space<hbm>> -> memref<32x768xf32, #tpu.memory_space<hbm>>
    %dma_wait3A_65 = arith.constant 0 : i32
    %dma_wait3A_66 = arith.constant 0 : i32
    %dma_wait3A_67 = tpu.memref_slice %arg6[%dma_wait3A, %dma_wait3A_65, %dma_wait3A_66] : memref<4x32x768xf32, #tpu.memory_space<vmem>> -> memref<1x32x768xf32, #tpu.memory_space<vmem>>
    %dma_wait3A_68 = tpu.memref_squeeze %dma_wait3A_67 : memref<1x32x768xf32, #tpu.memory_space<vmem>> -> memref<32x768xf32, #tpu.memory_space<vmem>>
    tpu.wait_dma2 semaphore(%arg8 : memref<!tpu.dma_semaphore, #tpu.memory_space<semaphore_mem>>) src(%dma_wait3A_68 : memref<32x768xf32, #tpu.memory_space<vmem>>) dst(%dma_wait3A_64 : memref<32x768xf32, #tpu.memory_space<hbm>>)
    %add3A_69 = arith.constant 8096 : i32
    %add3A_70 = arith.addi %mul3A_2, %add3A_69 : i32
    %dma_wait3A_71 = arith.constant 1 : i32
    %dma_wait3A_72 = arith.constant 0 : i32
    %dma_wait3A_73 = arith.constant 0 : i32
    %dma_wait3A_74 = tpu.memref_slice %arg6[%dma_wait3A_71, %dma_wait3A_72, %dma_wait3A_73] : memref<4x32x768xf32, #tpu.memory_space<vmem>> -> memref<1x32x768xf32, #tpu.memory_space<vmem>>
    %dma_wait3A_75 = tpu.memref_squeeze %dma_wait3A_74 : memref<1x32x768xf32, #tpu.memory_space<vmem>> -> memref<32x768xf32, #tpu.memory_space<vmem>>
    %dma_wait3A_76 = arith.constant 0 : i32
    %dma_wait3A_77 = tpu.memref_slice %arg4[%add3A_70, %dma_wait3A_76] : memref<262144x768xf32, #tpu.memory_space<hbm>> -> memref<32x768xf32, #tpu.memory_space<hbm>>
    %dma_wait3A_78 = arith.constant 0 : i32
    %dma_wait3A_79 = tpu.memref_slice %arg4[%add3A_70, %dma_wait3A_78] : memref<262144x768xf32, #tpu.memory_space<hbm>> -> memref<32x768xf32, #tpu.memory_space<hbm>>
    %dma_wait3A_80 = arith.constant 0 : i32
    %dma_wait3A_81 = arith.constant 0 : i32
    %dma_wait3A_82 = tpu.memref_slice %arg6[%dma_wait3A_71, %dma_wait3A_80, %dma_wait3A_81] : memref<4x32x768xf32, #tpu.memory_space<vmem>> -> memref<1x32x768xf32, #tpu.memory_space<vmem>>
    %dma_wait3A_83 = tpu.memref_squeeze %dma_wait3A_82 : memref<1x32x768xf32, #tpu.memory_space<vmem>> -> memref<32x768xf32, #tpu.memory_space<vmem>>
    tpu.wait_dma2 semaphore(%arg8 : memref<!tpu.dma_semaphore, #tpu.memory_space<semaphore_mem>>) src(%dma_wait3A_83 : memref<32x768xf32, #tpu.memory_space<vmem>>) dst(%dma_wait3A_79 : memref<32x768xf32, #tpu.memory_space<hbm>>)
    %add3A_84 = arith.constant 8128 : i32
    %add3A_85 = arith.addi %mul3A_2, %add3A_84 : i32
    %dma_wait3A_86 = arith.constant 2 : i32
    %dma_wait3A_87 = arith.constant 0 : i32
    %dma_wait3A_88 = arith.constant 0 : i32
    %dma_wait3A_89 = tpu.memref_slice %arg6[%dma_wait3A_86, %dma_wait3A_87, %dma_wait3A_88] : memref<4x32x768xf32, #tpu.memory_space<vmem>> -> memref<1x32x768xf32, #tpu.memory_space<vmem>>
    %dma_wait3A_90 = tpu.memref_squeeze %dma_wait3A_89 : memref<1x32x768xf32, #tpu.memory_space<vmem>> -> memref<32x768xf32, #tpu.memory_space<vmem>>
    %dma_wait3A_91 = arith.constant 0 : i32
    %dma_wait3A_92 = tpu.memref_slice %arg4[%add3A_85, %dma_wait3A_91] : memref<262144x768xf32, #tpu.memory_space<hbm>> -> memref<32x768xf32, #tpu.memory_space<hbm>>
    %dma_wait3A_93 = arith.constant 0 : i32
    %dma_wait3A_94 = tpu.memref_slice %arg4[%add3A_85, %dma_wait3A_93] : memref<262144x768xf32, #tpu.memory_space<hbm>> -> memref<32x768xf32, #tpu.memory_space<hbm>>
    %dma_wait3A_95 = arith.constant 0 : i32
    %dma_wait3A_96 = arith.constant 0 : i32
    %dma_wait3A_97 = tpu.memref_slice %arg6[%dma_wait3A_86, %dma_wait3A_95, %dma_wait3A_96] : memref<4x32x768xf32, #tpu.memory_space<vmem>> -> memref<1x32x768xf32, #tpu.memory_space<vmem>>
    %dma_wait3A_98 = tpu.memref_squeeze %dma_wait3A_97 : memref<1x32x768xf32, #tpu.memory_space<vmem>> -> memref<32x768xf32, #tpu.memory_space<vmem>>
    tpu.wait_dma2 semaphore(%arg8 : memref<!tpu.dma_semaphore, #tpu.memory_space<semaphore_mem>>) src(%dma_wait3A_98 : memref<32x768xf32, #tpu.memory_space<vmem>>) dst(%dma_wait3A_94 : memref<32x768xf32, #tpu.memory_space<hbm>>)
    %add3A_99 = arith.constant 8160 : i32
    %add3A_100 = arith.addi %mul3A_2, %add3A_99 : i32
    %dma_wait3A_101 = arith.constant 3 : i32
    %dma_wait3A_102 = arith.constant 0 : i32
    %dma_wait3A_103 = arith.constant 0 : i32
    %dma_wait3A_104 = tpu.memref_slice %arg6[%dma_wait3A_101, %dma_wait3A_102, %dma_wait3A_103] : memref<4x32x768xf32, #tpu.memory_space<vmem>> -> memref<1x32x768xf32, #tpu.memory_space<vmem>>
    %dma_wait3A_105 = tpu.memref_squeeze %dma_wait3A_104 : memref<1x32x768xf32, #tpu.memory_space<vmem>> -> memref<32x768xf32, #tpu.memory_space<vmem>>
    %dma_wait3A_106 = arith.constant 0 : i32
    %dma_wait3A_107 = tpu.memref_slice %arg4[%add3A_100, %dma_wait3A_106] : memref<262144x768xf32, #tpu.memory_space<hbm>> -> memref<32x768xf32, #tpu.memory_space<hbm>>
    %dma_wait3A_108 = arith.constant 0 : i32
    %dma_wait3A_109 = tpu.memref_slice %arg4[%add3A_100, %dma_wait3A_108] : memref<262144x768xf32, #tpu.memory_space<hbm>> -> memref<32x768xf32, #tpu.memory_space<hbm>>
    %dma_wait3A_110 = arith.constant 0 : i32
    %dma_wait3A_111 = arith.constant 0 : i32
    %dma_wait3A_112 = tpu.memref_slice %arg6[%dma_wait3A_101, %dma_wait3A_110, %dma_wait3A_111] : memref<4x32x768xf32, #tpu.memory_space<vmem>> -> memref<1x32x768xf32, #tpu.memory_space<vmem>>
    %dma_wait3A_113 = tpu.memref_squeeze %dma_wait3A_112 : memref<1x32x768xf32, #tpu.memory_space<vmem>> -> memref<32x768xf32, #tpu.memory_space<vmem>>
    tpu.wait_dma2 semaphore(%arg8 : memref<!tpu.dma_semaphore, #tpu.memory_space<semaphore_mem>>) src(%dma_wait3A_113 : memref<32x768xf32, #tpu.memory_space<vmem>>) dst(%dma_wait3A_109 : memref<32x768xf32, #tpu.memory_space<hbm>>)
    return
  }
}

</mosaic_0001>

<sc_bundles>
// kernel: kernel.3.cloned.1.call-start
scs
__scs_entry_jumppad:
0x0: {  	(pc) =	sbr.rel $0x88, $3  }
0x1: {  	(tag) =	ssettag $0x0;
	lr =	simm.s32 $0x1  }
0x2: {  	[smem:$0x3F9F] =	sst lr;
	_ =	strace $0xD0000000  }
0x3: {  	_ = 	snop  }
0x4: {  	_ = 	snop  }
0x5: {  	_ = 	snop  }
0x6: {  	_ = 	snop  }
0x7: {  	_ = 	snop  }
__scs_overlays_trampoline_lowered:
0x8: {  	[smem:$0x3FAE] =	sst s0  }
0x9: {  	[smem:$0x3FAF] =	sst s1  }
0xa: {  	[smem:$0x3FB0] =	sst s2  }
0xb: {  	[smem:$0x3FB1] =	sst s3  }
0xc: {  	[smem:$0x3FB2] =	sst s4  }
0xd: {  	[smem:$0x3FB3] =	sst s5  }
0xe: {  	[smem:$0x3FB4] =	sst s6  }
0xf: {  	[smem:$0x3FB5] =	sst s7  }
0x10: {  	[smem:$0x3FB6] =	sst s8  }
0x11: {  	[smem:$0x3FB7] =	sst s9;
	s0 =	simm.s32 @!p0 $0x0  }
0x12: {  	s1 =	sld [smem:$0x3F9D];
	s0 =	simm.s32 @p0 $0x1  }
0x13: {  	[smem:$0x3FB8] =	sst s0;
	s0 =	simm.s32 @!p1 $0x0  }
0x14: {  	s2 =	sld [smem:$0x3F9C];
	s0 =	simm.s32 @p1 $0x1  }
0x15: {  	[smem:$0x3FB9] =	sst s0;
	s0 =	simm.s32 @!p2 $0x0  }
0x16: {  	s3 =	sld [smem:$0x3FDB];
	s0 =	simm.s32 @p2 $0x1  }
0x17: {  	s4 =	simm.s32 $0x1BF5;
	[smem:$0x3FBB] =	sst s0  }
0x18: {  	s0 =	sld [smem:$0x3F9E];
	_ =	swait.ge [sflag:s4], $0x0  }
0x19: {  	s7 =	sld [smem:$0x3F9F]  }
0x1a: {  	s8 =	sadd.s32 $0xFFFFE003, lr  }
0x1b: {  	s9 =	sadd.s32 $0xFFFFFEF7, lr;
	s5 =	simm.s32 $0xFFFFFFFF;
	p2 =	slt.u32 s8, $0xFFFFF086  }
0x1c: {  	p1 =	slt.u32 s9, $0xF7A;
	s5 =	simm.s32 @!p2 $0x0  }
0x1d: {  	s5 =	simm.s32 @p1 $0x1;
	p0 =	seq.s32 s7, s2  }
0x1e: {  	s7 =	smul.u32 @!p0 $0xF7A, s2;
	p2 =	seq.s32 @!p0 s5, $0x0  }
0x1f: {  	s9 =	smul.u32 $0xF7A, s1;
	s8 =	simm.s32 @!p0 $0x1BF5;
	p2 =	por !p2, p0  }
0x20: {  	[sflag:s8] =	ssyncset.s32 @!p0 $0xFFFFF086;
	s6 =	sadd.s32 @!p0 s3, s7;
	s7 =	simm.s32 @!p0 $0x108  }
0x21: {  	s3 =	sadd.s32 s3, s9;
	s6 =	sadd.s32 @!p0 $0x88, s6;
	s7 =	simm.s32 @p2 $0x1082  }
0x22: {  	[simem:s7], [sflag:s8] =	dma.local @!p0 [hbm:s6], $0xF7A  }
0x23: {  	s9 =	sor.u32 $0xD0000000, s2;
	s6 =	simm.s32 $0x108;
	_ =	swait.ge @!p0 [sflag:s8], $0x0  }
0x24: {  	s3 =	sadd.s32 $0x88, s3;
	s6 =	simm.s32 @!p1 $0x1082;
	[sflag:s4] =	ssyncset.s32 $0xFFFFF086  }
0x25: {  	[simem:s6], [sflag:s4] =	dma.local [hbm:s3], $0xF7A  }
0x26: {  	[smem:$0x3F9F] =	sst s1;
	(tag) =	ssettag s2;
	_ =	strace s9  }
0x27: {  	s1 =	sld [smem:$0x3FAF]  }
0x28: {  	s2 =	sld [smem:$0x3FB0]  }
0x29: {  	s4 =	sld [smem:$0x3FB2]  }
0x2a: {  	p0 =	seq.s32 s5, $0x0;
	s5 =	sld [smem:$0x3FB3]  }
0x2b: {  	s6 =	sld [smem:$0x3FB4]  }
0x2c: {  	s7 =	sld [smem:$0x3FB5]  }
0x2d: {  	s3 =	simm.s32 $0x108;
	s8 =	sld [smem:$0x3FB6]  }
0x2e: {  	s3 =	simm.s32 @!p0 $0x1082;
	s9 =	sld [smem:$0x3FB7]  }
0x2f: {  	lr =	sadd.s32 s0, s3;
	s0 =	sld [smem:$0x3FAE]  }
0x30: {  	s3 =	sld [smem:$0x3FB1]  }
0x31: {  	[smem:$0x3FBA] =	sst s10  }
0x32: {  	s10 =	sld [smem:$0x3FB8];
	_ =	sdelay $0x3  }
0x33: {  	p0 =	seq.s32 s10, $0x1;
	s10 =	sld [smem:$0x3FBA];
	_ =	sdelay $0x3  }
0x34: {  	[smem:$0x3FBA] =	sst s10  }
0x35: {  	s10 =	sld [smem:$0x3FB9];
	_ =	sdelay $0x3  }
0x36: {  	p1 =	seq.s32 s10, $0x1;
	s10 =	sld [smem:$0x3FBA];
	_ =	sdelay $0x3  }
0x37: {  	[smem:$0x3FBA] =	sst s10  }
0x38: {  	s10 =	sld [smem:$0x3FBB]  }
0x39: {  	_ = 	snop;
	(pc) =	sbr.ind lr, $3  }
0x3a: {  	_ = 	snop  }
0x3b: {  	_ = 	snop  }
0x3c: {  	p2 =	seq.s32 s10, $0x1;
	s10 =	sld [smem:$0x3FBA]  }
0x3d: {  	_ =	shalt  }
0x3e: {  	_ =	shalt  }
0x3f: {  	_ =	shalt  }
0x40: {  	_ =	shalt  }
0x41: {  	_ =	shalt  }
0x42: {  	_ =	shalt  }
0x43: {  	_ =	shalt  }
0x44: {  	_ =	shalt  }
0x45: {  	_ =	shalt  }
0x46: {  	_ =	shalt  }
0x47: {  	_ =	shalt  }
0x48: {  	_ =	shalt  }
0x49: {  	_ =	shalt  }
0x4a: {  	_ =	shalt  }
0x4b: {  	_ =	shalt  }
0x4c: {  	_ =	shalt  }
0x4d: {  	_ =	shalt  }
0x4e: {  	_ =	shalt  }
0x4f: {  	_ =	shalt  }
0x50: {  	_ =	shalt  }
0x51: {  	_ =	shalt  }
0x52: {  	_ =	shalt  }
0x53: {  	_ =	shalt  }
0x54: {  	_ =	shalt  }
0x55: {  	_ =	shalt  }
0x56: {  	_ =	shalt  }
0x57: {  	_ =	shalt  }
0x58: {  	_ =	shalt  }
0x59: {  	_ =	shalt  }
0x5a: {  	_ =	shalt  }
0x5b: {  	_ =	shalt  }
0x5c: {  	_ =	shalt  }
0x5d: {  	_ =	shalt  }
0x5e: {  	_ =	shalt  }
0x5f: {  	_ =	shalt  }
0x60: {  	_ =	shalt  }
0x61: {  	_ =	shalt  }
0x62: {  	_ =	shalt  }
0x63: {  	_ =	shalt  }
0x64: {  	_ =	shalt  }
0x65: {  	_ =	shalt  }
0x66: {  	_ =	shalt  }
0x67: {  	_ =	shalt  }
0x68: {  	_ =	shalt  }
0x69: {  	_ =	shalt  }
0x6a: {  	_ =	shalt  }
0x6b: {  	_ =	shalt  }
0x6c: {  	_ =	shalt  }
0x6d: {  	_ =	shalt  }
0x6e: {  	_ =	shalt  }
0x6f: {  	_ =	shalt  }
0x70: {  	_ =	shalt  }
0x71: {  	_ =	shalt  }
0x72: {  	_ =	shalt  }
0x73: {  	_ =	shalt  }
0x74: {  	_ =	shalt  }
0x75: {  	_ =	shalt  }
0x76: {  	_ =	shalt  }
0x77: {  	_ =	shalt  }
0x78: {  	_ =	shalt  }
0x79: {  	_ =	shalt  }
0x7a: {  	_ =	shalt  }
0x7b: {  	_ =	shalt  }
0x7c: {  	_ =	shalt  }
0x7d: {  	_ =	shalt  }
0x7e: {  	_ =	shalt  }
0x7f: {  	_ =	shalt  }
0x80: {  	_ =	shalt  }
0x81: {  	_ =	shalt  }
0x82: {  	_ =	shalt  }
0x83: {  	_ =	shalt  }
0x84: {  	_ =	shalt  }
0x85: {  	_ =	shalt  }
0x86: {  	_ =	shalt  }
0x87: {  	_ =	shalt  }
.Lfunc_end0:
.L_simem_size_0:
called_computation_lowered:
.L_overlay_start_0:
0x88: {  	s2 =	sld [smem:$0x3FD9]  }
0x89: {  	s3 =	sld [smem:$0x3FFE];
	_ =	sdelay $0x1  }
0x8a: {  	s1 =	srdreg.scid  }
0x8b: {  	s0 =	sand.u32 $0x1, s1  }
0x8c: {  	s17 =	sshll.u32 s0, $0xA;
	s2 =	sadd.s32 s3, s2  }
0x8d: {  	s2 =	sadd.s32 s2, s17  }
0x8e: {  	[smem:$0x3FC6] =	sst s2  }
0x8f: {  	_ = 	snop  }
0x90: {  	s2 =	sld [smem:$0x3FC8]  }
0x91: {  	s18 =	sld [smem:$0x3FD0];
	(tm) =	ssettm $0x1  }
0x92: {  	s4 =	sld [smem:$0x3FFB];
	_ =	sdelay $0x3  }
0x93: {  	_ =	strace s4  }
0x94: {  	s4 =	sld [smem:$0x3FFC];
	_ =	sdelay $0x3  }
0x95: {  	_ =	strace s4  }
0x96: {  	s4 =	sld [smem:$0x3FFD];
	_ =	sdelay $0x3  }
0x97: {  	_ =	strace s4  }
0x98: {  	_ =	strace $0x8FFFFFFF  }
0x99: {  	s19 =	sld [smem:$0x3FDB];
	_ =	sdelay $0x1  }
0x9a: {  	s5 =	simm.s32 $_scs_section_size  }
0x9b: {  	s6 =	simm.s32 $_size__tile_overlayer_lowered;
	s7 =	simm.s32 $_tile_overlayer_lowered  }
0x9c: {  	s22 =	simm.s32 $0x1BFF;
	s21 =	sshll.u32 s7, $0x1;
	s4 =	sadd.s32 s5, s19  }
0x9d: {  	s8 =	simm.s32 $0x0;
	s20 =	sshll.u32 s6, $0x1;
	s6 =	sadd.s32 s21, s4  }
0x9e: {  	[timem:s8], [sflag:s22] =	dma.local [hbm:s6], s20  }
0x9f: {  	_ =	swait.ge [sflag:s22], s20  }
0xa0: {  	s5 =	ssub.s32 $0x0, s20;
	[sflag:s22] =	ssyncset.done $0x0  }
0xa1: {  	[sflag:s22] =	ssyncadd.s32 s5;
	_ =	sdelay $0x1  }
0xa2: {  	s23 =	simm.s32 $0x1B8B  }
0xa3: {  	_ =	swait.ge [sflag:s23], $0x1  }
0xa4: {  	[sflag:s23] =	ssyncset.done $0x0  }
0xa5: {  	s25 =	simm.s32 $0x1B8E;
	s24 =	sld [smem:$0x3FFE];
	[sflag:s23] =	ssyncadd.s32 $0xFFFFFFFF  }
0xa6: {  	s26 =	simm.s32 $execute0_lowered;
	[smem:$0x3FD2] =	sst s25  }
0xa7: {  	s6 =	sshll.u32 s26, $0x1;
	_ =	strace $0x80000046;
	[dreg:$0x1] =	wrdreg $0xFFFFFFFF  }
0xa8: {  	s28 =	simm.s32 $_size_execute0_lowered;
	s4 =	sadd.s32 s4, s6;
	[dreg:$0x0] =	wrdreg $0x0  }
0xa9: {  	s6 =	sshll.u32 s28, $0x1;
	[dreg:$0x2] =	wrdreg s4  }
0xaa: {  	[dreg:$0x3] =	wrdreg s6  }
0xab: {  	[dreg:$0x4] =	wrdreg $0xC0  }
0xac: {  	_ =	task [dreg:s8], $0x5FFFF  }
0xad: {  	[dreg:$0x1] =	wrdreg $0xFFFFFFFF  }
0xae: {  	[dreg:$0x0] =	wrdreg $0x60  }
0xaf: {  	[dreg:$0x2] =	wrdreg s24  }
0xb0: {  	[dreg:$0x3] =	wrdreg s2  }
0xb1: {  	[dreg:$0x4] =	wrdreg s18  }
0xb2: {  	[dreg:$0x5] =	wrdreg $0x9  }
0xb3: {  	_ =	task.clear_ibuf [dreg:s8], $0x6FFFF;
	_ =	strace $0x90000046  }
0xb4: {  	s29 =	simm.s32 $0x9;
	_ =	strace $0x80000048  }
0xb5: {  	_ =	swait.ge [sflag:s29], $0x1  }
0xb6: {  	[sflag:s29] =	ssyncadd.s32 $0xFFFFFFFF  }
0xb7: {  	_ =	strace $0x90000048  }
0xb8: {  	_ =	sfence  }
0xb9: {  	s30 =	sld [smem:$0x0];
	_ =	sdelay $0x2  }
0xba: {  	s31 =	sshll.u32 s1, $0xD;
	s1 =	sshrl.u32 s1, $0x2  }
0xbb: {  	s3 =	sand.u32 $0x4000, s31;
	s1 =	sadd.s32 s1, s30  }
0xbc: {  	s0 =	sor.u32 s3, s0;
	s1 =	sshll.u32 s1, $0x11  }
0xbd: {  	s0 =	sor.u32 s1, s0  }
0xbe: {  	s0 =	sadd.s32 $0x8F2B, s0  }
0xbf: {  	[sflag:s0] =	ssyncadd.remote.s32 $0x1  }
0xc0: {  	_ =	sfence.sel $0xFFFF  }
0xc1: {  	[dreg:$0x0] =	wrdreg $0xFFFFFFFF;
	(pc) =	sbr.abs _section_cstart, $3  }
0xc2: {  	[dreg:$0x1] =	wrdreg $0xFFFFFFFF  }
0xc3: {  	_ =	task.clear_ibuf [dreg:s8], $0x2FFFF;
	_ =	strace $0x9FFFFFFF  }
0xc4: {  	(tm) =	ssettm $0x7FFFFFFF  }
0xc5: {  	_ =	shalt  }
tec
execute0_lowered:
.L_overlay_start_1:
0x0: {  	(tag) =	ssettag $0x1  }
0x1: {  	s0 =	rddreg [dreg:$0x0]  }
0x2: {  	s1 =	rddreg [dreg:$0x1]  }
0x3: {  	s2 =	rddreg [dreg:$0x2]  }
0x4: {  	s4 =	srdreg.scid;
	s3 =	simm.s32 $0x0;
	s7 =	stileid.u32  }
0x5: {  	s11 =	simm.s32 $0x8000;
	s20 =	simm.s32 $0xC800;
	s28 =	simm.s32 $0x10000  }
0x6: {  	s29 =	simm.s32 $0x10800;
	s30 =	simm.s32 $0x11000;
	s31 =	simm.s32 $0x11800  }
0x7: {  	s10 =	simm.s32 $0x14000;
	s12 =	simm.s32 $0x1A000;
	s13 =	simm.s32 $0x1  }
0x8: {  	s14 =	simm.s32 $0x2;
	s16 =	simm.s32 $0x0;
	s4 =	sand.u32 $0x1, s4  }
0x9: {  	[smem:$0x7FF] =	sst s3;
	s5 =	sshll.u32 s7, $0xE;
	s7 =	sshll.u32 s7, $0xD  }
0xa: {  	s6 =	sshll.u32 s4, $0xD;
	s8 =	sshll.u32 s4, $0xC;
	_ =	strace $0x80000047  }
0xb: {  	s4 =	ssub.s32 $0x2, s4;
	s5 =	sor.u32 s6, s5;
	s21 =	sor.u32 s8, s7  }
0xc: {  	s24 =	sshrl.u32 s4, $0x1;
	s6 =	sadd.s32 $0x200, s1;
	s7 =	simm.s32 $0x13800  }
0xd: {  	s22 =	sor.u32 $0x60, s5;
	s0 =	sadd.s32 s21, s0;
	s5 =	sshrl.u32 s5, $0x3  }
0xe: {  	s4 =	ssub.s32 s4, s24;
	s21 =	simm.s32 $0xD000;
	s24 =	simm.s32 $0xE800  }
0xf: {  	s23 =	sshrl.u32 s22, $0x3;
	s0 =	sadd.s32 $0x400, s0;
	s26 =	smul.u32 $0x300, s5  }
.Ltmp0:
0x10: {  	s5 =	sadd.s32 $0x100, s1;
	s4 =	smax.u32 s4, $0x1;
	(pc) =	sbr.rel .LBB2_1-.Ltmp0, $4  }
0x11: {  	s22 =	simm.s32 $0xD800;
	s25 =	smul.u32 $0x300, s23;
	[dreg:$0x4] =	wrdreg s0  }
0x12: {  	v2 =	vlaneseq.u32;
	[dreg:$0x5] =	wrdreg s4;
	s23 =	simm.s32 $0xE000;
	s0 =	simm.s32 $0x12000  }
0x13: {  	vm0 =	vmmov $0xffff;
	v1 =	vshrl.u32 v2, $0x3;
	s4 =	simm.s32 $0x13000;
	s9 =	sadd.s32 s26, s2;
	s26 =	simm.s32 $0xF800  }
0x14: {  	v0 =	vand.u32 $0x7, v2;
	v2 =	vor.u32 $0x8, v2;
	v1 =	vmul.u32 $0x8, v1;
	s8 =	sadd.s32 s25, s2;
	s25 =	simm.s32 $0xF000;
	s2 =	simm.s32 $0x12800  }
.LBB2_6:
0x15: {  	_ =	swait.ge [sflag:s14], $0x6000  }
0x16: {  	[sflag:s14] =	ssyncset.done $0x0  }
0x17: {  	[sflag:s14] =	ssyncadd.s32 $0xFFFFA000  }
0x18: {  	_ =	swait.ge [sflag:s14], $0x6000  }
0x19: {  	[sflag:s14] =	ssyncset.done $0x0  }
0x1a: {  	[sflag:s14] =	ssyncadd.s32 $0xFFFFA000  }
0x1b: {  	_ =	swait.ge [sflag:s14], $0x6000  }
0x1c: {  	[sflag:s14] =	ssyncset.done $0x0  }
0x1d: {  	[sflag:s14] =	ssyncadd.s32 $0xFFFFA000  }
0x1e: {  	_ =	swait.ge [sflag:s14], $0x6000  }
0x1f: {  	s16 =	rddreg [dreg:$0x6]  }
0x20: {  	s15 =	rddreg [dreg:$0x5];
	s16 =	sadd.s32 $0x1, s16  }
0x21: {  	p0 =	sne.s32 s16, s15  }
.Ltmp1:
0x22: {  	_ = 	snop;
	(pc) =	sbr.rel @!p0 .LBB2_7-.Ltmp1, $3  }
0x23: {  	_ =	sdelay $0x1  }
0x24: {  	[sflag:s14] =	ssyncset.done $0x0  }
0x25: {  	[sflag:s14] =	ssyncadd.s32 $0xFFFFA000  }
.LBB2_1:
0x26: {  	[dreg:$0x6] =	wrdreg s16  }
0x27: {  	s15 =	rddreg [dreg:$0x4];
	s17 =	simm.s32 $0x3  }
0x28: {  	[tilespmem:s3], [sflag:$0x3] =	stream.linear.gather [hbm4b:s15+s3], $0x8000, $0x38;
	v63 =	vld [tilespmem:$0x0]  }
0x29: {  	_ =	swait.ge [sflag:s17], $0x8000  }
0x2a: {  	[sflag:s17] =	ssyncset.done $0x0  }
0x2b: {  	[sflag:s17] =	ssyncadd.s32 $0xFFFF8000  }
0x2c: {  	v3 =	vld [tilespmem:$0x0];
	_ =	sdelay $0x4  }
0x2d: {  	v4 =	vshrl.u32 v3, $0x3  }
0x2e: {  	v4 =	vmul.u32 $0x30, v4  }
0x2f: {  	v3 =	vand.u32 $0x7, v3  }
0x30: {  	v3 =	vor.u32 v3, v4  }
0x31: {  	v4 =	vperm.xlane v3, v0;
	_ =	sdelay $0x1  }
0x32: {  	v4 =	vadd.s32 v1, v4;
	_ =	sdelay $0x3  }
0x33: {  	v3 =	vperm.xlane v3, v2  }
0x34: {  	[tilespmem:s11], [sflag:$0x1] =	stream.indirect_vreg.gather [hbm4b:s1+s3], $0x80, v4, vm0, $0xb8;
	v63 =	vld [tilespmem:$0x0]  }
0x35: {  	s18 =	simm.s32 $0x8800;
	v3 =	vadd.s32 v1, v3  }
0x36: {  	[tilespmem:s18], [sflag:$0x1] =	stream.indirect_vreg.gather [hbm4b:s5+s3], $0x80, v4, vm0, $0xb8;
	v63 =	vld [tilespmem:$0x0]  }
0x37: {  	s19 =	simm.s32 $0x9000  }
0x38: {  	[tilespmem:s19], [sflag:$0x1] =	stream.indirect_vreg.gather [hbm4b:s6+s3], $0x80, v4, vm0, $0xb8;
	v63 =	vld [tilespmem:$0x0]  }
0x39: {  	s16 =	simm.s32 $0x9800  }
0x3a: {  	[tilespmem:s16], [sflag:$0x1] =	stream.indirect_vreg.gather [hbm4b:s1+s3], $0x80, v3, vm0, $0xb8;
	v63 =	vld [tilespmem:$0x0]  }
0x3b: {  	s17 =	simm.s32 $0xA000  }
0x3c: {  	[tilespmem:s17], [sflag:$0x1] =	stream.indirect_vreg.gather [hbm4b:s5+s3], $0x80, v3, vm0, $0xb8;
	v63 =	vld [tilespmem:$0x0]  }
0x3d: {  	s18 =	simm.s32 $0xA800  }
0x3e: {  	[tilespmem:s18], [sflag:$0x1] =	stream.indirect_vreg.gather [hbm4b:s6+s3], $0x80, v3, vm0, $0xb8;
	v63 =	vld [tilespmem:$0x0]  }
0x3f: {  	v3 =	vld [tilespmem:$0x10];
	_ =	sdelay $0x4  }
0x40: {  	v56 =	vshrl.u32 v3, $0x3  }
0x41: {  	v4 =	vmul.u32 $0x30, v56  }
0x42: {  	v3 =	vand.u32 $0x7, v3  }
0x43: {  	v3 =	vor.u32 v3, v4  }
0x44: {  	v4 =	vperm.xlane v3, v0;
	_ =	sdelay $0x1  }
0x45: {  	v4 =	vadd.s32 v1, v4;
	_ =	sdelay $0x3  }
0x46: {  	s19 =	simm.s32 $0xB000;
	v3 =	vperm.xlane v3, v2  }
0x47: {  	[tilespmem:s19], [sflag:$0x1] =	stream.indirect_vreg.gather [hbm4b:s1+s3], $0x80, v4, vm0, $0xb8;
	v63 =	vld [tilespmem:$0x0]  }
0x48: {  	s16 =	simm.s32 $0xB800;
	v3 =	vadd.s32 v1, v3  }
0x49: {  	[tilespmem:s16], [sflag:$0x1] =	stream.indirect_vreg.gather [hbm4b:s5+s3], $0x80, v4, vm0, $0xb8;
	v63 =	vld [tilespmem:$0x0]  }
0x4a: {  	s17 =	simm.s32 $0xC000  }
0x4b: {  	[tilespmem:s17], [sflag:$0x1] =	stream.indirect_vreg.gather [hbm4b:s6+s3], $0x80, v4, vm0, $0xb8;
	v63 =	vld [tilespmem:$0x0]  }
0x4c: {  	_ = 	snop  }
0x4d: {  	[tilespmem:s20], [sflag:$0x1] =	stream.indirect_vreg.gather [hbm4b:s1+s3], $0x80, v3, vm0, $0xb8;
	v63 =	vld [tilespmem:$0x0]  }
0x4e: {  	_ = 	snop  }
0x4f: {  	[tilespmem:s21], [sflag:$0x1] =	stream.indirect_vreg.gather [hbm4b:s5+s3], $0x80, v3, vm0, $0xb8;
	v63 =	vld [tilespmem:$0x0]  }
0x50: {  	_ = 	snop  }
0x51: {  	[tilespmem:s22], [sflag:$0x1] =	stream.indirect_vreg.gather [hbm4b:s6+s3], $0x80, v3, vm0, $0xb8;
	v63 =	vld [tilespmem:$0x0]  }
0x52: {  	v3 =	vld [tilespmem:$0x80];
	_ =	sdelay $0x4  }
0x53: {  	v57 =	vshrl.u32 v3, $0x3  }
0x54: {  	v4 =	vmul.u32 $0x30, v57  }
0x55: {  	v3 =	vand.u32 $0x7, v3  }
0x56: {  	v3 =	vor.u32 v3, v4  }
0x57: {  	v4 =	vperm.xlane v3, v0;
	_ =	sdelay $0x1  }
0x58: {  	v4 =	vadd.s32 v1, v4;
	_ =	sdelay $0x3  }
0x59: {  	v3 =	vperm.xlane v3, v2  }
0x5a: {  	[tilespmem:s23], [sflag:$0x1] =	stream.indirect_vreg.gather [hbm4b:s1+s3], $0x80, v4, vm0, $0xb8;
	v63 =	vld [tilespmem:$0x0]  }
0x5b: {  	v3 =	vadd.s32 v1, v3  }
0x5c: {  	[tilespmem:s24], [sflag:$0x1] =	stream.indirect_vreg.gather [hbm4b:s5+s3], $0x80, v4, vm0, $0xb8;
	v63 =	vld [tilespmem:$0x0]  }
0x5d: {  	_ = 	snop  }
0x5e: {  	[tilespmem:s25], [sflag:$0x1] =	stream.indirect_vreg.gather [hbm4b:s6+s3], $0x80, v4, vm0, $0xb8;
	v63 =	vld [tilespmem:$0x0]  }
0x5f: {  	_ = 	snop  }
0x60: {  	[tilespmem:s26], [sflag:$0x1] =	stream.indirect_vreg.gather [hbm4b:s1+s3], $0x80, v3, vm0, $0xb8;
	v63 =	vld [tilespmem:$0x0]  }
0x61: {  	_ = 	snop  }
0x62: {  	[tilespmem:s28], [sflag:$0x1] =	stream.indirect_vreg.gather [hbm4b:s5+s3], $0x80, v3, vm0, $0xb8;
	v63 =	vld [tilespmem:$0x0]  }
0x63: {  	_ = 	snop  }
0x64: {  	[tilespmem:s29], [sflag:$0x1] =	stream.indirect_vreg.gather [hbm4b:s6+s3], $0x80, v3, vm0, $0xb8;
	v63 =	vld [tilespmem:$0x0]  }
0x65: {  	v3 =	vld [tilespmem:$0x90];
	_ =	sdelay $0x4  }
0x66: {  	v58 =	vshrl.u32 v3, $0x3  }
0x67: {  	v4 =	vmul.u32 $0x30, v58  }
0x68: {  	v3 =	vand.u32 $0x7, v3  }
0x69: {  	v3 =	vor.u32 v3, v4  }
0x6a: {  	v4 =	vperm.xlane v3, v0;
	_ =	sdelay $0x1  }
0x6b: {  	v4 =	vadd.s32 v1, v4;
	_ =	sdelay $0x3  }
0x6c: {  	v3 =	vperm.xlane v3, v2  }
0x6d: {  	[tilespmem:s30], [sflag:$0x1] =	stream.indirect_vreg.gather [hbm4b:s1+s3], $0x80, v4, vm0, $0xb8;
	v63 =	vld [tilespmem:$0x0]  }
0x6e: {  	v3 =	vadd.s32 v1, v3  }
0x6f: {  	[tilespmem:s31], [sflag:$0x1] =	stream.indirect_vreg.gather [hbm4b:s5+s3], $0x80, v4, vm0, $0xb8;
	v63 =	vld [tilespmem:$0x0]  }
0x70: {  	_ = 	snop  }
0x71: {  	[tilespmem:s0], [sflag:$0x1] =	stream.indirect_vreg.gather [hbm4b:s6+s3], $0x80, v4, vm0, $0xb8;
	v63 =	vld [tilespmem:$0x0]  }
0x72: {  	_ = 	snop  }
0x73: {  	[tilespmem:s2], [sflag:$0x1] =	stream.indirect_vreg.gather [hbm4b:s1+s3], $0x80, v3, vm0, $0xb8;
	v63 =	vld [tilespmem:$0x0]  }
0x74: {  	_ = 	snop  }
0x75: {  	[tilespmem:s4], [sflag:$0x1] =	stream.indirect_vreg.gather [hbm4b:s5+s3], $0x80, v3, vm0, $0xb8;
	v63 =	vld [tilespmem:$0x0]  }
0x76: {  	_ = 	snop  }
0x77: {  	[tilespmem:s7], [sflag:$0x1] =	stream.indirect_vreg.gather [hbm4b:s6+s3], $0x80, v3, vm0, $0xb8;
	v63 =	vld [tilespmem:$0x0]  }
0x78: {  	v3 =	vld [tilespmem:$0x100];
	_ =	sdelay $0x4  }
0x79: {  	v59 =	vshrl.u32 v3, $0x3  }
0x7a: {  	v4 =	vmul.u32 $0x30, v59  }
0x7b: {  	v3 =	vand.u32 $0x7, v3  }
0x7c: {  	v3 =	vor.u32 v3, v4  }
0x7d: {  	v4 =	vperm.xlane v3, v0;
	_ =	sdelay $0x1  }
0x7e: {  	v4 =	vadd.s32 v1, v4;
	_ =	sdelay $0x3  }
0x7f: {  	v3 =	vperm.xlane v3, v2  }
0x80: {  	[tilespmem:s10], [sflag:$0x1] =	stream.indirect_vreg.gather [hbm4b:s1+s3], $0x80, v4, vm0, $0xb8;
	v63 =	vld [tilespmem:$0x0]  }
0x81: {  	s18 =	simm.s32 $0x14800;
	v3 =	vadd.s32 v1, v3  }
0x82: {  	[tilespmem:s18], [sflag:$0x1] =	stream.indirect_vreg.gather [hbm4b:s5+s3], $0x80, v4, vm0, $0xb8;
	v63 =	vld [tilespmem:$0x0]  }
0x83: {  	s19 =	simm.s32 $0x15000  }
0x84: {  	[tilespmem:s19], [sflag:$0x1] =	stream.indirect_vreg.gather [hbm4b:s6+s3], $0x80, v4, vm0, $0xb8;
	v63 =	vld [tilespmem:$0x0]  }
0x85: {  	s16 =	simm.s32 $0x15800  }
0x86: {  	[tilespmem:s16], [sflag:$0x1] =	stream.indirect_vreg.gather [hbm4b:s1+s3], $0x80, v3, vm0, $0xb8;
	v63 =	vld [tilespmem:$0x0]  }
0x87: {  	s17 =	simm.s32 $0x16000  }
0x88: {  	[tilespmem:s17], [sflag:$0x1] =	stream.indirect_vreg.gather [hbm4b:s5+s3], $0x80, v3, vm0, $0xb8;
	v63 =	vld [tilespmem:$0x0]  }
0x89: {  	s18 =	simm.s32 $0x16800  }
0x8a: {  	[tilespmem:s18], [sflag:$0x1] =	stream.indirect_vreg.gather [hbm4b:s6+s3], $0x80, v3, vm0, $0xb8;
	v63 =	vld [tilespmem:$0x0]  }
0x8b: {  	v3 =	vld [tilespmem:$0x110];
	_ =	sdelay $0x4  }
0x8c: {  	v60 =	vshrl.u32 v3, $0x3  }
0x8d: {  	v4 =	vmul.u32 $0x30, v60  }
0x8e: {  	v3 =	vand.u32 $0x7, v3  }
0x8f: {  	v3 =	vor.u32 v3, v4  }
0x90: {  	v4 =	vperm.xlane v3, v0;
	_ =	sdelay $0x1  }
0x91: {  	v4 =	vadd.s32 v1, v4;
	_ =	sdelay $0x3  }
0x92: {  	s19 =	simm.s32 $0x17000;
	v3 =	vperm.xlane v3, v2  }
0x93: {  	[tilespmem:s19], [sflag:$0x1] =	stream.indirect_vreg.gather [hbm4b:s1+s3], $0x80, v4, vm0, $0xb8;
	v63 =	vld [tilespmem:$0x0]  }
0x94: {  	s16 =	simm.s32 $0x17800;
	v3 =	vadd.s32 v1, v3  }
0x95: {  	[tilespmem:s16], [sflag:$0x1] =	stream.indirect_vreg.gather [hbm4b:s5+s3], $0x80, v4, vm0, $0xb8;
	v63 =	vld [tilespmem:$0x0]  }
0x96: {  	s17 =	simm.s32 $0x18000  }
0x97: {  	[tilespmem:s17], [sflag:$0x1] =	stream.indirect_vreg.gather [hbm4b:s6+s3], $0x80, v4, vm0, $0xb8;
	v63 =	vld [tilespmem:$0x0]  }
0x98: {  	s18 =	simm.s32 $0x18800  }
0x99: {  	[tilespmem:s18], [sflag:$0x1] =	stream.indirect_vreg.gather [hbm4b:s1+s3], $0x80, v3, vm0, $0xb8;
	v63 =	vld [tilespmem:$0x0]  }
0x9a: {  	s19 =	simm.s32 $0x19000  }
0x9b: {  	[tilespmem:s19], [sflag:$0x1] =	stream.indirect_vreg.gather [hbm4b:s5+s3], $0x80, v3, vm0, $0xb8;
	v63 =	vld [tilespmem:$0x0]  }
0x9c: {  	s16 =	simm.s32 $0x19800  }
0x9d: {  	[tilespmem:s16], [sflag:$0x1] =	stream.indirect_vreg.gather [hbm4b:s6+s3], $0x80, v3, vm0, $0xb8;
	v63 =	vld [tilespmem:$0x0]  }
0x9e: {  	v3 =	vld [tilespmem:$0x180];
	_ =	sdelay $0x4  }
0x9f: {  	v61 =	vshrl.u32 v3, $0x3  }
0xa0: {  	v4 =	vmul.u32 $0x30, v61  }
0xa1: {  	v3 =	vand.u32 $0x7, v3  }
0xa2: {  	v3 =	vor.u32 v3, v4  }
0xa3: {  	v4 =	vperm.xlane v3, v0;
	_ =	sdelay $0x1  }
0xa4: {  	v4 =	vadd.s32 v1, v4;
	_ =	sdelay $0x3  }
0xa5: {  	v3 =	vperm.xlane v3, v2  }
0xa6: {  	[tilespmem:s12], [sflag:$0x1] =	stream.indirect_vreg.gather [hbm4b:s1+s3], $0x80, v4, vm0, $0xb8;
	v63 =	vld [tilespmem:$0x0]  }
0xa7: {  	s17 =	simm.s32 $0x1A800;
	v3 =	vadd.s32 v1, v3  }
0xa8: {  	[tilespmem:s17], [sflag:$0x1] =	stream.indirect_vreg.gather [hbm4b:s5+s3], $0x80, v4, vm0, $0xb8;
	v63 =	vld [tilespmem:$0x0]  }
0xa9: {  	s18 =	simm.s32 $0x1B000  }
0xaa: {  	[tilespmem:s18], [sflag:$0x1] =	stream.indirect_vreg.gather [hbm4b:s6+s3], $0x80, v4, vm0, $0xb8;
	v63 =	vld [tilespmem:$0x0]  }
0xab: {  	s19 =	simm.s32 $0x1B800  }
0xac: {  	[tilespmem:s19], [sflag:$0x1] =	stream.indirect_vreg.gather [hbm4b:s1+s3], $0x80, v3, vm0, $0xb8;
	v63 =	vld [tilespmem:$0x0]  }
0xad: {  	s16 =	simm.s32 $0x1C000  }
0xae: {  	[tilespmem:s16], [sflag:$0x1] =	stream.indirect_vreg.gather [hbm4b:s5+s3], $0x80, v3, vm0, $0xb8;
	v63 =	vld [tilespmem:$0x0]  }
0xaf: {  	s17 =	simm.s32 $0x1C800  }
0xb0: {  	[tilespmem:s17], [sflag:$0x1] =	stream.indirect_vreg.gather [hbm4b:s6+s3], $0x80, v3, vm0, $0xb8;
	v63 =	vld [tilespmem:$0x0]  }
0xb1: {  	v3 =	vld [tilespmem:$0x190];
	_ =	sdelay $0x4  }
0xb2: {  	v62 =	vshrl.u32 v3, $0x3  }
0xb3: {  	v4 =	vmul.u32 $0x30, v62  }
0xb4: {  	v3 =	vand.u32 $0x7, v3  }
0xb5: {  	v3 =	vor.u32 v3, v4  }
0xb6: {  	v4 =	vperm.xlane v3, v0;
	_ =	sdelay $0x1  }
0xb7: {  	v4 =	vadd.s32 v1, v4;
	_ =	sdelay $0x3  }
0xb8: {  	s18 =	simm.s32 $0x1D000;
	v3 =	vperm.xlane v3, v2  }
0xb9: {  	[tilespmem:s18], [sflag:$0x1] =	stream.indirect_vreg.gather [hbm4b:s1+s3], $0x80, v4, vm0, $0xb8;
	v63 =	vld [tilespmem:$0x0]  }
0xba: {  	s19 =	simm.s32 $0x1D800;
	v3 =	vadd.s32 v1, v3  }
0xbb: {  	[tilespmem:s19], [sflag:$0x1] =	stream.indirect_vreg.gather [hbm4b:s5+s3], $0x80, v4, vm0, $0xb8;
	v63 =	vld [tilespmem:$0x0]  }
0xbc: {  	s16 =	simm.s32 $0x1E000  }
0xbd: {  	[tilespmem:s16], [sflag:$0x1] =	stream.indirect_vreg.gather [hbm4b:s6+s3], $0x80, v4, vm0, $0xb8;
	v63 =	vld [tilespmem:$0x0]  }
0xbe: {  	s17 =	simm.s32 $0x1E800  }
0xbf: {  	[tilespmem:s17], [sflag:$0x1] =	stream.indirect_vreg.gather [hbm4b:s1+s3], $0x80, v3, vm0, $0xb8;
	v63 =	vld [tilespmem:$0x0]  }
.Ltmp2:
0xc0: {  	_ = 	snop;
	(pc) =	sbr.rel .LBB2_2-.Ltmp2, $4  }
0xc1: {  	s18 =	simm.s32 $0x1F000  }
0xc2: {  	[tilespmem:s18], [sflag:$0x1] =	stream.indirect_vreg.gather [hbm4b:s5+s3], $0x80, v3, vm0, $0xb8;
	v63 =	vld [tilespmem:$0x0]  }
0xc3: {  	s15 =	simm.s32 $0x190;
	s19 =	simm.s32 $0x1F800;
	s16 =	simm.s32 $0x0  }
0xc4: {  	[tilespmem:s19], [sflag:$0x1] =	stream.indirect_vreg.gather [hbm4b:s6+s3], $0x80, v3, vm0, $0xb8;
	v63 =	vld [tilespmem:$0x0]  }
.LBB2_4:
0xc5: {  	_ =	swait.ge [sflag:s13], $0x6000  }
0xc6: {  	[sflag:s13] =	ssyncset.done $0x0  }
0xc7: {  	[sflag:s13] =	ssyncadd.s32 $0xFFFFA000  }
0xc8: {  	[hbm4b:s18+s3] =	stream.linear.scatter [tilespmem:s23], [sflag:$0x2], $0x6000, $0x38;
	v63 =	vld [tilespmem:$0x0]  }
.LBB2_5:
0xc9: {  	_ =	swait.ge [sflag:s13], $0x6000  }
0xca: {  	[sflag:s13] =	ssyncset.done $0x0  }
0xcb: {  	s17 =	sadd.s32 $0x1800, s17;
	[sflag:s13] =	ssyncadd.s32 $0xFFFFA000  }
0xcc: {  	[hbm4b:s17+s3] =	stream.linear.scatter [tilespmem:s10], [sflag:$0x2], $0x6000, $0x38;
	v63 =	vld [tilespmem:$0x0]  }
0xcd: {  	s17 =	simm.s32 @!p0 $0x2  }
0xce: {  	_ =	swait.ge @!p0 [sflag:s17], $0x6000  }
0xcf: {  	[sflag:s17] =	ssyncset.done @!p0 $0x0  }
0xd0: {  	[sflag:s17] =	ssyncadd.s32 @!p0 $0xFFFFA000  }
0xd1: {  	v3 =	vld @!p0 [tilespmem:s15+$0x170];
	_ =	sdelay $0x4  }
0xd2: {  	v4 =	vshrl.u32 @!p0 v3, $0x3  }
0xd3: {  	v4 =	vmul.u32 @!p0 $0x30, v4  }
0xd4: {  	v5 =	vlaneseq.u32 @!p0;
	v3 =	vand.u32 @!p0 $0x7, v3  }
0xd5: {  	v6 =	vshrl.u32 @!p0 v5, $0x3;
	v3 =	vor.u32 @!p0 v3, v4;
	v4 =	vand.u32 @!p0 $0x7, v5  }
0xd6: {  	v6 =	vmul.u32 @!p0 $0x8, v6;
	v7 =	vperm.xlane @!p0 v3, v4;
	_ =	sdelay $0x1  }
0xd7: {  	v7 =	vadd.s32 @!p0 v6, v7;
	_ =	sdelay $0x2  }
0xd8: {  	v5 =	vor.u32 @!p0 $0x8, v5  }
0xd9: {  	vm1 =	vmmov @!p0 $0xffff;
	s18 =	simm.s32 @!p0 $0x14000;
	s17 =	simm.s32 @!p0 $0x0;
	v3 =	vperm.xlane @!p0 v3, v5  }
0xda: {  	[tilespmem:s18], [sflag:$0x1] =	stream.indirect_vreg.gather @!p0 [hbm4b:s1+s17], $0x80, v7, vm1, $0xb8;
	v63 =	vld [tilespmem:$0x0]  }
0xdb: {  	v3 =	vadd.s32 @!p0 v6, v3;
	s18 =	simm.s32 @!p0 $0x14800  }
0xdc: {  	[tilespmem:s18], [sflag:$0x1] =	stream.indirect_vreg.gather @!p0 [hbm4b:s5+s17], $0x80, v7, vm1, $0xb8;
	v63 =	vld [tilespmem:$0x0]  }
0xdd: {  	s18 =	simm.s32 @!p0 $0x15000  }
0xde: {  	[tilespmem:s18], [sflag:$0x1] =	stream.indirect_vreg.gather @!p0 [hbm4b:s6+s17], $0x80, v7, vm1, $0xb8;
	v63 =	vld [tilespmem:$0x0]  }
0xdf: {  	s18 =	simm.s32 @!p0 $0x15800  }
0xe0: {  	[tilespmem:s18], [sflag:$0x1] =	stream.indirect_vreg.gather @!p0 [hbm4b:s1+s17], $0x80, v3, vm1, $0xb8;
	v63 =	vld [tilespmem:$0x0]  }
0xe1: {  	s18 =	simm.s32 @!p0 $0x16000  }
0xe2: {  	[tilespmem:s18], [sflag:$0x1] =	stream.indirect_vreg.gather @!p0 [hbm4b:s5+s17], $0x80, v3, vm1, $0xb8;
	v63 =	vld [tilespmem:$0x0]  }
0xe3: {  	s18 =	simm.s32 @!p0 $0x16800  }
0xe4: {  	[tilespmem:s18], [sflag:$0x1] =	stream.indirect_vreg.gather @!p0 [hbm4b:s6+s17], $0x80, v3, vm1, $0xb8;
	v63 =	vld [tilespmem:$0x0]  }
0xe5: {  	v3 =	vld @!p0 [tilespmem:s15+$0x180];
	_ =	sdelay $0x4  }
0xe6: {  	v7 =	vshrl.u32 @!p0 v3, $0x3  }
0xe7: {  	v7 =	vmul.u32 @!p0 $0x30, v7  }
0xe8: {  	v3 =	vand.u32 @!p0 $0x7, v3  }
0xe9: {  	v3 =	vor.u32 @!p0 v3, v7  }
0xea: {  	v4 =	vperm.xlane @!p0 v3, v4;
	_ =	sdelay $0x1  }
0xeb: {  	v4 =	vadd.s32 @!p0 v6, v4;
	_ =	sdelay $0x3  }
0xec: {  	s18 =	simm.s32 @!p0 $0x17000;
	v3 =	vperm.xlane @!p0 v3, v5  }
0xed: {  	[tilespmem:s18], [sflag:$0x1] =	stream.indirect_vreg.gather @!p0 [hbm4b:s1+s17], $0x80, v4, vm1, $0xb8;
	v63 =	vld [tilespmem:$0x0]  }
0xee: {  	v3 =	vadd.s32 @!p0 v6, v3;
	s18 =	simm.s32 @!p0 $0x17800  }
0xef: {  	[tilespmem:s18], [sflag:$0x1] =	stream.indirect_vreg.gather @!p0 [hbm4b:s5+s17], $0x80, v4, vm1, $0xb8;
	v63 =	vld [tilespmem:$0x0]  }
0xf0: {  	s18 =	simm.s32 @!p0 $0x18000  }
0xf1: {  	[tilespmem:s18], [sflag:$0x1] =	stream.indirect_vreg.gather @!p0 [hbm4b:s6+s17], $0x80, v4, vm1, $0xb8;
	v63 =	vld [tilespmem:$0x0]  }
0xf2: {  	s18 =	simm.s32 @!p0 $0x18800  }
0xf3: {  	[tilespmem:s18], [sflag:$0x1] =	stream.indirect_vreg.gather @!p0 [hbm4b:s1+s17], $0x80, v3, vm1, $0xb8;
	v63 =	vld [tilespmem:$0x0]  }
0xf4: {  	s18 =	simm.s32 @!p0 $0x19000  }
0xf5: {  	[tilespmem:s18], [sflag:$0x1] =	stream.indirect_vreg.gather @!p0 [hbm4b:s5+s17], $0x80, v3, vm1, $0xb8;
	v63 =	vld [tilespmem:$0x0]  }
0xf6: {  	s19 =	sadd.s32 s16, s8;
	s16 =	sadd.s32 $0x3000, s16;
	s18 =	simm.s32 @!p0 $0x19800  }
0xf7: {  	[tilespmem:s18], [sflag:$0x1] =	stream.indirect_vreg.gather @!p0 [hbm4b:s6+s17], $0x80, v3, vm1, $0xb8;
	v63 =	vld [tilespmem:$0x0]  }
0xf8: {  	p0 =	sne.s32 s16, $0xC0000  }
.Ltmp3:
0xf9: {  	_ = 	snop;
	(pc) =	sbr.rel @!p0 .LBB2_6-.Ltmp3, $4  }
0xfa: {  	_ =	swait.ge [sflag:s13], $0x6000  }
0xfb: {  	[sflag:s13] =	ssyncset.done $0x0  }
0xfc: {  	s15 =	sadd.s32 $0x200, s15;
	[sflag:s13] =	ssyncadd.s32 $0xFFFFA000  }
0xfd: {  	[hbm4b:s19+s3] =	stream.linear.scatter [tilespmem:s12], [sflag:$0x2], $0x6000, $0x38;
	v63 =	vld [tilespmem:$0x0]  }
.LBB2_2:
0xfe: {  	p0 =	seq.s32 s16, $0x0  }
0xff: {  	s17 =	simm.s32 @!p0 $0x2  }
0x100: {  	_ =	swait.ge @!p0 [sflag:s17], $0x6000  }
0x101: {  	[sflag:s17] =	ssyncset.done @!p0 $0x0  }
0x102: {  	[sflag:s17] =	ssyncadd.s32 @!p0 $0xFFFFA000  }
0x103: {  	v3 =	vld @!p0 [tilespmem:s15+$0xFFFFFFF0];
	_ =	sdelay $0x4  }
0x104: {  	v4 =	vshrl.u32 @!p0 v3, $0x3  }
0x105: {  	v4 =	vmul.u32 @!p0 $0x30, v4  }
0x106: {  	v5 =	vlaneseq.u32 @!p0;
	v3 =	vand.u32 @!p0 $0x7, v3  }
0x107: {  	v6 =	vshrl.u32 @!p0 v5, $0x3;
	v3 =	vor.u32 @!p0 v3, v4;
	v4 =	vand.u32 @!p0 $0x7, v5  }
0x108: {  	v6 =	vmul.u32 @!p0 $0x8, v6;
	v7 =	vperm.xlane @!p0 v3, v4;
	_ =	sdelay $0x1  }
0x109: {  	v7 =	vadd.s32 @!p0 v6, v7;
	_ =	sdelay $0x2  }
0x10a: {  	v5 =	vor.u32 @!p0 $0x8, v5  }
0x10b: {  	vm1 =	vmmov @!p0 $0xffff;
	s18 =	simm.s32 @!p0 $0x1A000;
	s17 =	simm.s32 @!p0 $0x0;
	v3 =	vperm.xlane @!p0 v3, v5  }
0x10c: {  	[tilespmem:s18], [sflag:$0x1] =	stream.indirect_vreg.gather @!p0 [hbm4b:s1+s17], $0x80, v7, vm1, $0xb8;
	v63 =	vld [tilespmem:$0x0]  }
0x10d: {  	v3 =	vadd.s32 @!p0 v6, v3;
	s18 =	simm.s32 @!p0 $0x1A800  }
0x10e: {  	[tilespmem:s18], [sflag:$0x1] =	stream.indirect_vreg.gather @!p0 [hbm4b:s5+s17], $0x80, v7, vm1, $0xb8;
	v63 =	vld [tilespmem:$0x0]  }
0x10f: {  	s18 =	simm.s32 @!p0 $0x1B000  }
0x110: {  	[tilespmem:s18], [sflag:$0x1] =	stream.indirect_vreg.gather @!p0 [hbm4b:s6+s17], $0x80, v7, vm1, $0xb8;
	v63 =	vld [tilespmem:$0x0]  }
0x111: {  	s18 =	simm.s32 @!p0 $0x1B800  }
0x112: {  	[tilespmem:s18], [sflag:$0x1] =	stream.indirect_vreg.gather @!p0 [hbm4b:s1+s17], $0x80, v3, vm1, $0xb8;
	v63 =	vld [tilespmem:$0x0]  }
0x113: {  	s18 =	simm.s32 @!p0 $0x1C000  }
0x114: {  	[tilespmem:s18], [sflag:$0x1] =	stream.indirect_vreg.gather @!p0 [hbm4b:s5+s17], $0x80, v3, vm1, $0xb8;
	v63 =	vld [tilespmem:$0x0]  }
0x115: {  	s18 =	simm.s32 @!p0 $0x1C800  }
0x116: {  	[tilespmem:s18], [sflag:$0x1] =	stream.indirect_vreg.gather @!p0 [hbm4b:s6+s17], $0x80, v3, vm1, $0xb8;
	v63 =	vld [tilespmem:$0x0]  }
0x117: {  	v3 =	vld @!p0 [tilespmem:s15+$0x0];
	_ =	sdelay $0x4  }
0x118: {  	v7 =	vshrl.u32 @!p0 v3, $0x3  }
0x119: {  	v7 =	vmul.u32 @!p0 $0x30, v7  }
0x11a: {  	v3 =	vand.u32 @!p0 $0x7, v3  }
0x11b: {  	v3 =	vor.u32 @!p0 v3, v7  }
0x11c: {  	v4 =	vperm.xlane @!p0 v3, v4;
	_ =	sdelay $0x1  }
0x11d: {  	v4 =	vadd.s32 @!p0 v6, v4;
	_ =	sdelay $0x3  }
0x11e: {  	s18 =	simm.s32 @!p0 $0x1D000;
	v3 =	vperm.xlane @!p0 v3, v5  }
0x11f: {  	[tilespmem:s18], [sflag:$0x1] =	stream.indirect_vreg.gather @!p0 [hbm4b:s1+s17], $0x80, v4, vm1, $0xb8;
	v63 =	vld [tilespmem:$0x0]  }
0x120: {  	v3 =	vadd.s32 @!p0 v6, v3;
	s18 =	simm.s32 @!p0 $0x1D800  }
0x121: {  	[tilespmem:s18], [sflag:$0x1] =	stream.indirect_vreg.gather @!p0 [hbm4b:s5+s17], $0x80, v4, vm1, $0xb8;
	v63 =	vld [tilespmem:$0x0]  }
0x122: {  	s18 =	simm.s32 @!p0 $0x1E000  }
0x123: {  	[tilespmem:s18], [sflag:$0x1] =	stream.indirect_vreg.gather @!p0 [hbm4b:s6+s17], $0x80, v4, vm1, $0xb8;
	v63 =	vld [tilespmem:$0x0]  }
0x124: {  	s18 =	simm.s32 @!p0 $0x1E800  }
0x125: {  	[tilespmem:s18], [sflag:$0x1] =	stream.indirect_vreg.gather @!p0 [hbm4b:s1+s17], $0x80, v3, vm1, $0xb8;
	v63 =	vld [tilespmem:$0x0]  }
0x126: {  	s18 =	simm.s32 @!p0 $0x1F000  }
0x127: {  	[tilespmem:s18], [sflag:$0x1] =	stream.indirect_vreg.gather @!p0 [hbm4b:s5+s17], $0x80, v3, vm1, $0xb8;
	v63 =	vld [tilespmem:$0x0]  }
0x128: {  	s18 =	simm.s32 @!p0 $0x1F800  }
0x129: {  	[tilespmem:s18], [sflag:$0x1] =	stream.indirect_vreg.gather @!p0 [hbm4b:s6+s17], $0x80, v3, vm1, $0xb8;
	v63 =	vld [tilespmem:$0x0]  }
0x12a: {  	p0 =	seq.s32 s16, $0xBD000  }
.Ltmp4:
0x12b: {  	_ = 	snop;
	(pc) =	sbr.rel @p0 .LBB2_4-.Ltmp4, $4  }
0x12c: {  	_ =	swait.ge [sflag:s13], $0x6000  }
0x12d: {  	s17 =	sadd.s32 s16, s9;
	[sflag:s13] =	ssyncset.done $0x0  }
0x12e: {  	s18 =	sadd.s32 $0xC00, s17;
	[sflag:s13] =	ssyncadd.s32 $0xFFFFA000  }
0x12f: {  	[hbm4b:s17+s3] =	stream.linear.scatter [tilespmem:s11], [sflag:$0x2], $0x6000, $0x38;
	v63 =	vld [tilespmem:$0x0]  }
0x130: {  	_ =	swait.ge [sflag:s14], $0x6000  }
0x131: {  	[sflag:s14] =	ssyncset.done $0x0  }
0x132: {  	[sflag:s14] =	ssyncadd.s32 $0xFFFFA000  }
0x133: {  	v3 =	vld [tilespmem:s15+$0x70];
	_ =	sdelay $0x4  }
0x134: {  	v4 =	vshrl.u32 v3, $0x3  }
0x135: {  	v4 =	vmul.u32 $0x30, v4  }
0x136: {  	v3 =	vand.u32 $0x7, v3  }
0x137: {  	v3 =	vor.u32 v3, v4  }
0x138: {  	v4 =	vperm.xlane v3, v0;
	_ =	sdelay $0x1  }
0x139: {  	v4 =	vadd.s32 v1, v4;
	_ =	sdelay $0x3  }
0x13a: {  	v3 =	vperm.xlane v3, v2  }
0x13b: {  	[tilespmem:s11], [sflag:$0x1] =	stream.indirect_vreg.gather [hbm4b:s1+s3], $0x80, v4, vm0, $0xb8;
	v63 =	vld [tilespmem:$0x0]  }
0x13c: {  	s19 =	simm.s32 $0x8800;
	v3 =	vadd.s32 v1, v3  }
0x13d: {  	[tilespmem:s19], [sflag:$0x1] =	stream.indirect_vreg.gather [hbm4b:s5+s3], $0x80, v4, vm0, $0xb8;
	v63 =	vld [tilespmem:$0x0]  }
0x13e: {  	s19 =	simm.s32 $0x9000  }
0x13f: {  	[tilespmem:s19], [sflag:$0x1] =	stream.indirect_vreg.gather [hbm4b:s6+s3], $0x80, v4, vm0, $0xb8;
	v63 =	vld [tilespmem:$0x0]  }
0x140: {  	s19 =	simm.s32 $0x9800  }
0x141: {  	[tilespmem:s19], [sflag:$0x1] =	stream.indirect_vreg.gather [hbm4b:s1+s3], $0x80, v3, vm0, $0xb8;
	v63 =	vld [tilespmem:$0x0]  }
0x142: {  	s19 =	simm.s32 $0xA000  }
0x143: {  	[tilespmem:s19], [sflag:$0x1] =	stream.indirect_vreg.gather [hbm4b:s5+s3], $0x80, v3, vm0, $0xb8;
	v63 =	vld [tilespmem:$0x0]  }
0x144: {  	s19 =	simm.s32 $0xA800  }
0x145: {  	[tilespmem:s19], [sflag:$0x1] =	stream.indirect_vreg.gather [hbm4b:s6+s3], $0x80, v3, vm0, $0xb8;
	v63 =	vld [tilespmem:$0x0]  }
0x146: {  	v3 =	vld [tilespmem:s15+$0x80];
	_ =	sdelay $0x4  }
0x147: {  	v60 =	vshrl.u32 v3, $0x3  }
0x148: {  	v4 =	vmul.u32 $0x30, v60  }
0x149: {  	v3 =	vand.u32 $0x7, v3  }
0x14a: {  	v3 =	vor.u32 v3, v4  }
0x14b: {  	v4 =	vperm.xlane v3, v0;
	_ =	sdelay $0x1  }
0x14c: {  	v4 =	vadd.s32 v1, v4;
	_ =	sdelay $0x3  }
0x14d: {  	s19 =	simm.s32 $0xB000;
	v3 =	vperm.xlane v3, v2  }
0x14e: {  	[tilespmem:s19], [sflag:$0x1] =	stream.indirect_vreg.gather [hbm4b:s1+s3], $0x80, v4, vm0, $0xb8;
	v63 =	vld [tilespmem:$0x0]  }
0x14f: {  	v3 =	vadd.s32 v1, v3;
	s19 =	simm.s32 $0xB800  }
0x150: {  	[tilespmem:s19], [sflag:$0x1] =	stream.indirect_vreg.gather [hbm4b:s5+s3], $0x80, v4, vm0, $0xb8;
	v63 =	vld [tilespmem:$0x0]  }
0x151: {  	s19 =	simm.s32 $0xC000  }
0x152: {  	[tilespmem:s19], [sflag:$0x1] =	stream.indirect_vreg.gather [hbm4b:s6+s3], $0x80, v4, vm0, $0xb8;
	v63 =	vld [tilespmem:$0x0]  }
0x153: {  	_ = 	snop  }
0x154: {  	[tilespmem:s20], [sflag:$0x1] =	stream.indirect_vreg.gather [hbm4b:s1+s3], $0x80, v3, vm0, $0xb8;
	v63 =	vld [tilespmem:$0x0]  }
0x155: {  	_ = 	snop  }
0x156: {  	[tilespmem:s21], [sflag:$0x1] =	stream.indirect_vreg.gather [hbm4b:s5+s3], $0x80, v3, vm0, $0xb8;
	v63 =	vld [tilespmem:$0x0]  }
0x157: {  	_ = 	snop  }
0x158: {  	[tilespmem:s22], [sflag:$0x1] =	stream.indirect_vreg.gather [hbm4b:s6+s3], $0x80, v3, vm0, $0xb8;
	v63 =	vld [tilespmem:$0x0]  }
0x159: {  	_ =	swait.ge [sflag:s13], $0x6000  }
0x15a: {  	[sflag:s13] =	ssyncset.done $0x0  }
0x15b: {  	[sflag:s13] =	ssyncadd.s32 $0xFFFFA000  }
0x15c: {  	[hbm4b:s18+s3] =	stream.linear.scatter [tilespmem:s23], [sflag:$0x2], $0x6000, $0x38;
	v63 =	vld [tilespmem:$0x0]  }
0x15d: {  	_ =	swait.ge [sflag:s14], $0x6000  }
0x15e: {  	[sflag:s14] =	ssyncset.done $0x0  }
0x15f: {  	[sflag:s14] =	ssyncadd.s32 $0xFFFFA000  }
0x160: {  	v3 =	vld [tilespmem:s15+$0xF0];
	_ =	sdelay $0x4  }
0x161: {  	v61 =	vshrl.u32 v3, $0x3  }
0x162: {  	v4 =	vmul.u32 $0x30, v61  }
0x163: {  	v3 =	vand.u32 $0x7, v3  }
0x164: {  	v3 =	vor.u32 v3, v4  }
0x165: {  	v4 =	vperm.xlane v3, v0;
	_ =	sdelay $0x1  }
0x166: {  	v4 =	vadd.s32 v1, v4;
	_ =	sdelay $0x3  }
0x167: {  	v3 =	vperm.xlane v3, v2  }
0x168: {  	[tilespmem:s23], [sflag:$0x1] =	stream.indirect_vreg.gather [hbm4b:s1+s3], $0x80, v4, vm0, $0xb8;
	v63 =	vld [tilespmem:$0x0]  }
0x169: {  	v3 =	vadd.s32 v1, v3  }
0x16a: {  	[tilespmem:s24], [sflag:$0x1] =	stream.indirect_vreg.gather [hbm4b:s5+s3], $0x80, v4, vm0, $0xb8;
	v63 =	vld [tilespmem:$0x0]  }
0x16b: {  	_ = 	snop  }
0x16c: {  	[tilespmem:s25], [sflag:$0x1] =	stream.indirect_vreg.gather [hbm4b:s6+s3], $0x80, v4, vm0, $0xb8;
	v63 =	vld [tilespmem:$0x0]  }
0x16d: {  	_ = 	snop  }
0x16e: {  	[tilespmem:s26], [sflag:$0x1] =	stream.indirect_vreg.gather [hbm4b:s1+s3], $0x80, v3, vm0, $0xb8;
	v63 =	vld [tilespmem:$0x0]  }
0x16f: {  	_ = 	snop  }
0x170: {  	[tilespmem:s28], [sflag:$0x1] =	stream.indirect_vreg.gather [hbm4b:s5+s3], $0x80, v3, vm0, $0xb8;
	v63 =	vld [tilespmem:$0x0]  }
0x171: {  	_ = 	snop  }
0x172: {  	[tilespmem:s29], [sflag:$0x1] =	stream.indirect_vreg.gather [hbm4b:s6+s3], $0x80, v3, vm0, $0xb8;
	v63 =	vld [tilespmem:$0x0]  }
0x173: {  	v3 =	vld [tilespmem:s15+$0x100];
	_ =	sdelay $0x4  }
0x174: {  	v62 =	vshrl.u32 v3, $0x3  }
0x175: {  	v4 =	vmul.u32 $0x30, v62  }
0x176: {  	v3 =	vand.u32 $0x7, v3  }
0x177: {  	v3 =	vor.u32 v3, v4  }
0x178: {  	v4 =	vperm.xlane v3, v0;
	_ =	sdelay $0x1  }
0x179: {  	v4 =	vadd.s32 v1, v4;
	_ =	sdelay $0x3  }
0x17a: {  	v3 =	vperm.xlane v3, v2  }
0x17b: {  	[tilespmem:s30], [sflag:$0x1] =	stream.indirect_vreg.gather [hbm4b:s1+s3], $0x80, v4, vm0, $0xb8;
	v63 =	vld [tilespmem:$0x0]  }
0x17c: {  	v3 =	vadd.s32 v1, v3  }
0x17d: {  	[tilespmem:s31], [sflag:$0x1] =	stream.indirect_vreg.gather [hbm4b:s5+s3], $0x80, v4, vm0, $0xb8;
	v63 =	vld [tilespmem:$0x0]  }
0x17e: {  	_ = 	snop  }
0x17f: {  	[tilespmem:s0], [sflag:$0x1] =	stream.indirect_vreg.gather [hbm4b:s6+s3], $0x80, v4, vm0, $0xb8;
	v63 =	vld [tilespmem:$0x0]  }
0x180: {  	_ = 	snop  }
0x181: {  	[tilespmem:s2], [sflag:$0x1] =	stream.indirect_vreg.gather [hbm4b:s1+s3], $0x80, v3, vm0, $0xb8;
	v63 =	vld [tilespmem:$0x0]  }
.Ltmp5:
0x182: {  	_ = 	snop;
	(pc) =	sbr.rel .LBB2_5-.Ltmp5, $4  }
0x183: {  	_ = 	snop  }
0x184: {  	[tilespmem:s4], [sflag:$0x1] =	stream.indirect_vreg.gather [hbm4b:s5+s3], $0x80, v3, vm0, $0xb8;
	v63 =	vld [tilespmem:$0x0]  }
0x185: {  	_ = 	snop  }
0x186: {  	[tilespmem:s7], [sflag:$0x1] =	stream.indirect_vreg.gather [hbm4b:s6+s3], $0x80, v3, vm0, $0xb8;
	v63 =	vld [tilespmem:$0x0]  }
.LBB2_7:
0x187: {  	_ =	sfence.sel $0x180000  }
0x188: {  	[bflag:$0x0] =	sbarrier.arrive $0xFFFF  }
0x189: {  	_ =	strace $0x90000047  }
0x18a: {  	s0 =	stileid.u32;
	[bflag:$0x2] =	sbarrier.arrive $0xFFFF  }
0x18b: {  	p0 =	sne.s32 s0, $0x0;
	s0 =	rddreg [dreg:$0x3]  }
0x18c: {  	s0 =	sadd.s32 @!p0 $0x100000, s0  }
0x18d: {  	[sflag:s0] =	ssyncadd.tile.s32 @!p0 $0x1;
	_ =	shalt  }
.Lfunc_end2:
_tile_overlayer_lowered:
.L_overlay_start_2:
0x18e: {  	(tag) =	ssettag $0x2  }
0x18f: {  	s0 =	rddreg [dreg:$0x0];
	s2 =	stileid.u32  }
0x190: {  	s1 =	rddreg [dreg:$0x1];
	p0 =	sne.s32 s2, $0x0  }
0x191: {  	s3 =	rddreg [dreg:$0x2];
	[bflag:$0x3] =	sbarrier.arrive $0xFFFF;
	s2 =	simm.s32 @!p0 $0x1C03  }
0x192: {  	[timem:s3], [sflag:s2] =	dma.local @!p0 [hbm:s0], s1  }
0x193: {  	s0 =	simm.s32 @!p0 $0x3  }
0x194: {  	_ =	swait.ge @!p0 [sflag:s0], s1  }
0x195: {  	s1 =	ssub.s32 @!p0 $0x0, s1;
	[sflag:s0] =	ssyncset.done @!p0 $0x0  }
0x196: {  	[sflag:s0] =	ssyncadd.s32 @!p0 s1  }
0x197: {  	[bflag:$0x3] =	sbarrier.arrive $0xFFFF  }
0x198: {  	_ =	shalt  }

</sc_bundles>
